<compile_context>
chip_gen: v7x
topology: tpu7x:2x2x1
jax: 0.10.2.dev20260603
libtpu: 0.0.44.dev20260713+nightly
codegen_flags: <defaults>
</compile_context>

<pallas_src>
import functools

import jax
import jax.numpy as jnp
from jax import lax
from jax.experimental import pallas as pl
from jax.experimental.pallas import tpu as pltpu
from jax.experimental.pallas import tpu_sc as plsc

NC = 2
NS = 16
NW = NC * NS
L = 16
EB = 128


def _wid(c, s):
    return s * NC + c


def _deg_body(nb, n_pad, dst_hbm, degpart_hbm, dst_v, ones_v, zrow_v, acc):
    c = lax.axis_index("c")
    s = lax.axis_index("s")
    w = _wid(c, s)
    rps = n_pad // NS
    for i in range(EB // L):
        ones_v[pl.ds(i * L, L)] = jnp.ones((L,), jnp.float32)
    for i in range(128 // L):
        zrow_v[pl.ds(i * L, L)] = jnp.zeros((L,), jnp.float32)
    for t in range(rps // 128):
        pltpu.sync_copy(zrow_v, acc.at[pl.ds(s * rps + t * 128, 128)])
    pltpu.sync_copy(dst_hbm.at[pl.ds(w * nb, nb)], dst_v)
    plsc.subcore_barrier()

    def body(j, carry):
        pltpu.sync_copy(ones_v, acc.at[dst_v.at[j]], add=True)
        return carry

    lax.fori_loop(0, nb, body, 0)
    plsc.subcore_barrier()
    pltpu.sync_copy(acc.at[pl.ds(s * rps, rps)],
                    degpart_hbm.at[pl.ds(c * n_pad + s * rps, rps)])


def _hop_body(nb, n_pad, g_hbm, src_hbm, dst_hbm, zeros_hbm, parts_hbm,
              src_v, dst_v, rows_a, acc, gsem):
    c = lax.axis_index("c")
    s = lax.axis_index("s")
    w = _wid(c, s)
    rps = n_pad // NS
    pltpu.sync_copy(zeros_hbm.at[pl.ds(s * rps, rps)],
                    acc.at[pl.ds(s * rps, rps)])
    pltpu.sync_copy(src_hbm.at[pl.ds(w * nb, nb)], src_v)
    pltpu.sync_copy(dst_hbm.at[pl.ds(w * nb, nb)], dst_v)
    plsc.subcore_barrier()

    def body(j, carry):
        pltpu.async_copy(g_hbm.at[src_v.at[j]], rows_a, gsem).wait()
        pltpu.sync_copy(rows_a, acc.at[dst_v.at[j]], add=True)
        return carry

    lax.fori_loop(0, nb, body, 0)
    plsc.subcore_barrier()
    pltpu.sync_copy(acc.at[pl.ds(s * rps, rps)],
                    parts_hbm.at[pl.ds(c * n_pad + s * rps, rps)])


def _scale0_tc_body(d0_ref, d1_ref, x_ref, g0_ref, nrm_ref, inv_ref):
    deg = jnp.maximum(d0_ref[...] + d1_ref[...], 1.0)
    nrm = lax.rsqrt(deg)
    nrm_ref[...] = nrm
    inv_ref[...] = 1.0 / deg
    g0_ref[...] = x_ref[...] * nrm


def _combine_tc_body(p0_ref, p1_ref, inv_ref, g_ref):
    g_ref[...] = (p0_ref[...] + p1_ref[...]) * inv_ref[...]


def _mm_body(p0_ref, p1_ref, n_ref, w_ref, o_ref):
    h = (p0_ref[...] + p1_ref[...]) * n_ref[...]
    o_ref[...] = lax.dot_general(h, w_ref[...], (((1,), (1,)), ((), ())),
                                 preferred_element_type=jnp.float32)


@jax.jit
def kernel(x, edge_index, W):
    n, d = x.shape
    e = edge_index.shape[1]
    n_pad = ((n + 511) // 512) * 512
    nb = (e + NW * EB - 1) // (NW * EB)
    nb = ((nb + 7) // 8) * 8
    e_pad = NW * nb * EB
    npad_extra = n_pad - n

    src = edge_index[0]
    dst = edge_index[1]
    pe = e_pad - e
    pad_src = jnp.arange(pe, dtype=jnp.int32) % jnp.int32(n)
    pad_dst = jnp.int32(n) + jnp.arange(pe, dtype=jnp.int32) % jnp.int32(npad_extra)
    srcp = jnp.concatenate([src, pad_src]).reshape(NW * nb, EB)
    dstp = jnp.concatenate([dst, pad_dst]).reshape(NW * nb, EB)
    xp = jnp.pad(x, ((0, npad_extra), (0, 0)))
    zeros2d = jnp.zeros((n_pad, d), jnp.float32)

    mesh = plsc.VectorSubcoreMesh(core_axis_name="c", subcore_axis_name="s")

    deg_call = pl.kernel(
        functools.partial(_deg_body, nb, n_pad),
        out_type=jax.ShapeDtypeStruct((NC * n_pad,), jnp.float32),
        mesh=mesh,
        compiler_params=pltpu.CompilerParams(needs_layout_passes=False),
        scratch_types=[
            pltpu.VMEM((nb, EB), jnp.int32),
            pltpu.VMEM((EB,), jnp.float32),
            pltpu.VMEM((128,), jnp.float32),
            pltpu.VMEM_SHARED((n_pad,), jnp.float32),
        ],
    )
    degpart = deg_call(dstp)

    blk = 2048
    scale0_call = pl.pallas_call(
        _scale0_tc_body,
        grid=(n_pad // blk,),
        in_specs=[
            pl.BlockSpec((blk, 1), lambda i: (i, 0)),
            pl.BlockSpec((blk, 1), lambda i: (i, 0)),
            pl.BlockSpec((blk, d), lambda i: (i, 0)),
        ],
        out_specs=(
            pl.BlockSpec((blk, d), lambda i: (i, 0)),
            pl.BlockSpec((blk, 1), lambda i: (i, 0)),
            pl.BlockSpec((blk, 1), lambda i: (i, 0)),
        ),
        out_shape=(
            jax.ShapeDtypeStruct((n_pad, d), jnp.float32),
            jax.ShapeDtypeStruct((n_pad, 1), jnp.float32),
            jax.ShapeDtypeStruct((n_pad, 1), jnp.float32),
        ),
    )
    g0, nrm2d, inv2d = scale0_call(degpart[:n_pad].reshape(n_pad, 1),
                                   degpart[n_pad:].reshape(n_pad, 1), xp)

    hop_call = pl.kernel(
        functools.partial(_hop_body, nb, n_pad),
        out_type=jax.ShapeDtypeStruct((NC * n_pad, d), jnp.float32),
        mesh=mesh,
        compiler_params=pltpu.CompilerParams(needs_layout_passes=False),
        scratch_types=[
            pltpu.VMEM((nb, EB), jnp.int32),
            pltpu.VMEM((nb, EB), jnp.int32),
            pltpu.VMEM((EB, d), jnp.float32),
            pltpu.VMEM_SHARED((n_pad, d), jnp.float32),
            pltpu.SemaphoreType.DMA,
        ],
    )
    parts1 = hop_call(g0, srcp, dstp, zeros2d)

    nblk = n_pad // blk
    combine_call = pl.pallas_call(
        _combine_tc_body,
        grid=(nblk,),
        in_specs=[
            pl.BlockSpec((blk, d), lambda i: (i, 0)),
            pl.BlockSpec((blk, d), lambda i: (i + nblk, 0)),
            pl.BlockSpec((blk, 1), lambda i: (i, 0)),
        ],
        out_specs=pl.BlockSpec((blk, d), lambda i: (i, 0)),
        out_shape=jax.ShapeDtypeStruct((n_pad, d), jnp.float32),
    )
    g1 = combine_call(parts1, parts1, inv2d)

    parts2 = hop_call(g1, srcp, dstp, zeros2d)

    mm_call = pl.pallas_call(
        _mm_body,
        grid=(nblk,),
        in_specs=[
            pl.BlockSpec((blk, d), lambda i: (i, 0)),
            pl.BlockSpec((blk, d), lambda i: (i + nblk, 0)),
            pl.BlockSpec((blk, 1), lambda i: (i, 0)),
            pl.BlockSpec((d, d), lambda i: (0, 0)),
        ],
        out_specs=pl.BlockSpec((blk, d), lambda i: (i, 0)),
        out_shape=jax.ShapeDtypeStruct((n_pad, d), jnp.float32),
    )
    out = mm_call(parts2, parts2, nrm2d, W)
    return out[:n]

# --- scband reference (transcript-rebuilt; emitter-appended) ---
"""Pipeline reference for scband-sgclayer-73203422593499 (READ-ONLY COPY).

The authoritative reference and input builder live on the scoring server;
editing this copy changes nothing except your own understanding.
"""

import jax, jax.numpy as jnp
import numpy as np

N_NODES = 10000
N_EDGES = 320000
D_IN = 128
D_OUT = 128
K_HOPS = 2


def setup_inputs(seed: int = 0) -> dict:
    key = jax.random.key(seed)
    k1, k2, k3 = jax.random.split(key, 3)
    x = jax.random.normal(k1, (N_NODES, D_IN), dtype=jnp.float32)
    edge_index = jax.random.randint(k2, (2, N_EDGES), 0, N_NODES, dtype=jnp.int32)
    # fc weight, xavier_uniform init, shape [out_feats, in_feats] (torch Linear convention)
    limit = float(np.sqrt(6.0 / (D_IN + D_OUT)))
    W = jax.random.uniform(k3, (D_OUT, D_IN), minval=-limit, maxval=limit, dtype=jnp.float32)
    return {"x": x, "edge_index": edge_index, "W": W}


def reference(x, edge_index, W):
    # SGCLayer forward with graph_norm=True, k=2, dropedge=0 (identity), cutgraph=0,
    # pair_norm=False, bias=False, cached=False.
    n = x.shape[0]
    src = edge_index[0]
    dst = edge_index[1]
    # in_degrees (message aggregation is at dst nodes), clamped at 1
    ones_e = jnp.ones((edge_index.shape[1],), dtype=x.dtype)
    degs = jax.ops.segment_sum(ones_e, dst, num_segments=n)
    degs = jnp.clip(degs, 1.0, None)
    norm = jnp.power(degs, -0.5)[:, None]
    h = x
    for _ in range(K_HOPS):
        # edge weights w = ones (dropout p=0 is identity, no graph cut)
        h = h * norm
        msgs = jnp.take(h, src, axis=0)  # u_mul_e with w=1
        h = jax.ops.segment_sum(msgs, dst, num_segments=n)  # fn.sum
        h = h * norm
    return h @ W.T

if __name__ == "__main__":
    import jax
    _d = setup_inputs()
    print(jax.jit(kernel)(*tuple(_d.values())))

</pallas_src>

<mosaic_0001>
#map = affine_map<(d0, d1) -> (0, 0)>
#map1 = affine_map<(d0, d1) -> (0)>
module attributes {stable_mosaic.version = 14 : i64} {
  func.func @_deg_body(%arg0: i32, %arg1: i32, %arg2: memref<2560x128xi32, #tpu.memory_space<hbm>>, %arg3: memref<20480xf32, #tpu.memory_space<hbm>>, %arg4: memref<80x128xi32, #tpu.memory_space<vmem>>, %arg5: memref<128xf32, #tpu.memory_space<vmem>>, %arg6: memref<128xf32, #tpu.memory_space<vmem>>, %arg7: memref<10240xf32, #tpu.memory_space<vmem_shared>>) attributes {dimension_semantics = [#tpu.dimension_semantics<core_parallel>, #tpu.dimension_semantics<subcore_parallel>], iteration_bounds = array<i64: 2, 16>, scalar_prefetch = 0 : i64, scratch_operands = 4 : i64, tpu.core_type = #tpu.core_type<sc_vector_subcore>, window_params = [{transform_indices = #map}, {transform_indices = #map1}]} {
    %mul3A = arith.constant 2 : i32
    %mul3A_0 = arith.muli %arg1, %mul3A : i32
    %add3A = arith.addi %mul3A_0, %arg0 : i32
    %broadcast_in_dim3A = arith.constant 1.000000e+00 : f32
    %broadcast_in_dim3A_1 = vector.broadcast %broadcast_in_dim3A : f32 to vector<16xf32>
    %swap3A = arith.constant 0 : index
    %swap3A_2 = tpu.vector_load %arg5[%swap3A] {strides = array<i32>} : memref<128xf32, #tpu.memory_space<vmem>>, vector<16xf32>,
    tpu.vector_store %arg5[%swap3A], %broadcast_in_dim3A_1 {strides = array<i32>} : memref<128xf32, #tpu.memory_space<vmem>>, vector<16xf32>,
    %broadcast_in_dim3A_3 = arith.constant 1.000000e+00 : f32
    %broadcast_in_dim3A_4 = vector.broadcast %broadcast_in_dim3A_3 : f32 to vector<16xf32>
    %swap3A_5 = arith.constant 16 : index
    %swap3A_6 = tpu.vector_load %arg5[%swap3A_5] {strides = array<i32>} : memref<128xf32, #tpu.memory_space<vmem>>, vector<16xf32>,
    tpu.vector_store %arg5[%swap3A_5], %broadcast_in_dim3A_4 {strides = array<i32>} : memref<128xf32, #tpu.memory_space<vmem>>, vector<16xf32>,
    %broadcast_in_dim3A_7 = arith.constant 1.000000e+00 : f32
    %broadcast_in_dim3A_8 = vector.broadcast %broadcast_in_dim3A_7 : f32 to vector<16xf32>
    %swap3A_9 = arith.constant 32 : index
    %swap3A_10 = tpu.vector_load %arg5[%swap3A_9] {strides = array<i32>} : memref<128xf32, #tpu.memory_space<vmem>>, vector<16xf32>,
    tpu.vector_store %arg5[%swap3A_9], %broadcast_in_dim3A_8 {strides = array<i32>} : memref<128xf32, #tpu.memory_space<vmem>>, vector<16xf32>,
    %broadcast_in_dim3A_11 = arith.constant 1.000000e+00 : f32
    %broadcast_in_dim3A_12 = vector.broadcast %broadcast_in_dim3A_11 : f32 to vector<16xf32>
    %swap3A_13 = arith.constant 48 : index
    %swap3A_14 = tpu.vector_load %arg5[%swap3A_13] {strides = array<i32>} : memref<128xf32, #tpu.memory_space<vmem>>, vector<16xf32>,
    tpu.vector_store %arg5[%swap3A_13], %broadcast_in_dim3A_12 {strides = array<i32>} : memref<128xf32, #tpu.memory_space<vmem>>, vector<16xf32>,
    %broadcast_in_dim3A_15 = arith.constant 1.000000e+00 : f32
    %broadcast_in_dim3A_16 = vector.broadcast %broadcast_in_dim3A_15 : f32 to vector<16xf32>
    %swap3A_17 = arith.constant 64 : index
    %swap3A_18 = tpu.vector_load %arg5[%swap3A_17] {strides = array<i32>} : memref<128xf32, #tpu.memory_space<vmem>>, vector<16xf32>,
    tpu.vector_store %arg5[%swap3A_17], %broadcast_in_dim3A_16 {strides = array<i32>} : memref<128xf32, #tpu.memory_space<vmem>>, vector<16xf32>,
    %broadcast_in_dim3A_19 = arith.constant 1.000000e+00 : f32
    %broadcast_in_dim3A_20 = vector.broadcast %broadcast_in_dim3A_19 : f32 to vector<16xf32>
    %swap3A_21 = arith.constant 80 : index
    %swap3A_22 = tpu.vector_load %arg5[%swap3A_21] {strides = array<i32>} : memref<128xf32, #tpu.memory_space<vmem>>, vector<16xf32>,
    tpu.vector_store %arg5[%swap3A_21], %broadcast_in_dim3A_20 {strides = array<i32>} : memref<128xf32, #tpu.memory_space<vmem>>, vector<16xf32>,
    %broadcast_in_dim3A_23 = arith.constant 1.000000e+00 : f32
    %broadcast_in_dim3A_24 = vector.broadcast %broadcast_in_dim3A_23 : f32 to vector<16xf32>
    %swap3A_25 = arith.constant 96 : index
    %swap3A_26 = tpu.vector_load %arg5[%swap3A_25] {strides = array<i32>} : memref<128xf32, #tpu.memory_space<vmem>>, vector<16xf32>,
    tpu.vector_store %arg5[%swap3A_25], %broadcast_in_dim3A_24 {strides = array<i32>} : memref<128xf32, #tpu.memory_space<vmem>>, vector<16xf32>,
    %broadcast_in_dim3A_27 = arith.constant 1.000000e+00 : f32
    %broadcast_in_dim3A_28 = vector.broadcast %broadcast_in_dim3A_27 : f32 to vector<16xf32>
    %swap3A_29 = arith.constant 112 : index
    %swap3A_30 = tpu.vector_load %arg5[%swap3A_29] {strides = array<i32>} : memref<128xf32, #tpu.memory_space<vmem>>, vector<16xf32>,
    tpu.vector_store %arg5[%swap3A_29], %broadcast_in_dim3A_28 {strides = array<i32>} : memref<128xf32, #tpu.memory_space<vmem>>, vector<16xf32>,
    %broadcast_in_dim3A_31 = arith.constant 0.000000e+00 : f32
    %broadcast_in_dim3A_32 = vector.broadcast %broadcast_in_dim3A_31 : f32 to vector<16xf32>
    %swap3A_33 = arith.constant 0 : index
    %swap3A_34 = tpu.vector_load %arg6[%swap3A_33] {strides = array<i32>} : memref<128xf32, #tpu.memory_space<vmem>>, vector<16xf32>,
    tpu.vector_store %arg6[%swap3A_33], %broadcast_in_dim3A_32 {strides = array<i32>} : memref<128xf32, #tpu.memory_space<vmem>>, vector<16xf32>,
    %broadcast_in_dim3A_35 = arith.constant 0.000000e+00 : f32
    %broadcast_in_dim3A_36 = vector.broadcast %broadcast_in_dim3A_35 : f32 to vector<16xf32>
    %swap3A_37 = arith.constant 16 : index
    %swap3A_38 = tpu.vector_load %arg6[%swap3A_37] {strides = array<i32>} : memref<128xf32, #tpu.memory_space<vmem>>, vector<16xf32>,
    tpu.vector_store %arg6[%swap3A_37], %broadcast_in_dim3A_36 {strides = array<i32>} : memref<128xf32, #tpu.memory_space<vmem>>, vector<16xf32>,
    %broadcast_in_dim3A_39 = arith.constant 0.000000e+00 : f32
    %broadcast_in_dim3A_40 = vector.broadcast %broadcast_in_dim3A_39 : f32 to vector<16xf32>
    %swap3A_41 = arith.constant 32 : index
    %swap3A_42 = tpu.vector_load %arg6[%swap3A_41] {strides = array<i32>} : memref<128xf32, #tpu.memory_space<vmem>>, vector<16xf32>,
    tpu.vector_store %arg6[%swap3A_41], %broadcast_in_dim3A_40 {strides = array<i32>} : memref<128xf32, #tpu.memory_space<vmem>>, vector<16xf32>,
    %broadcast_in_dim3A_43 = arith.constant 0.000000e+00 : f32
    %broadcast_in_dim3A_44 = vector.broadcast %broadcast_in_dim3A_43 : f32 to vector<16xf32>
    %swap3A_45 = arith.constant 48 : index
    %swap3A_46 = tpu.vector_load %arg6[%swap3A_45] {strides = array<i32>} : memref<128xf32, #tpu.memory_space<vmem>>, vector<16xf32>,
    tpu.vector_store %arg6[%swap3A_45], %broadcast_in_dim3A_44 {strides = array<i32>} : memref<128xf32, #tpu.memory_space<vmem>>, vector<16xf32>,
    %broadcast_in_dim3A_47 = arith.constant 0.000000e+00 : f32
    %broadcast_in_dim3A_48 = vector.broadcast %broadcast_in_dim3A_47 : f32 to vector<16xf32>
    %swap3A_49 = arith.constant 64 : index
    %swap3A_50 = tpu.vector_load %arg6[%swap3A_49] {strides = array<i32>} : memref<128xf32, #tpu.memory_space<vmem>>, vector<16xf32>,
    tpu.vector_store %arg6[%swap3A_49], %broadcast_in_dim3A_48 {strides = array<i32>} : memref<128xf32, #tpu.memory_space<vmem>>, vector<16xf32>,
    %broadcast_in_dim3A_51 = arith.constant 0.000000e+00 : f32
    %broadcast_in_dim3A_52 = vector.broadcast %broadcast_in_dim3A_51 : f32 to vector<16xf32>
    %swap3A_53 = arith.constant 80 : index
    %swap3A_54 = tpu.vector_load %arg6[%swap3A_53] {strides = array<i32>} : memref<128xf32, #tpu.memory_space<vmem>>, vector<16xf32>,
    tpu.vector_store %arg6[%swap3A_53], %broadcast_in_dim3A_52 {strides = array<i32>} : memref<128xf32, #tpu.memory_space<vmem>>, vector<16xf32>,
    %broadcast_in_dim3A_55 = arith.constant 0.000000e+00 : f32
    %broadcast_in_dim3A_56 = vector.broadcast %broadcast_in_dim3A_55 : f32 to vector<16xf32>
    %swap3A_57 = arith.constant 96 : index
    %swap3A_58 = tpu.vector_load %arg6[%swap3A_57] {strides = array<i32>} : memref<128xf32, #tpu.memory_space<vmem>>, vector<16xf32>,
    tpu.vector_store %arg6[%swap3A_57], %broadcast_in_dim3A_56 {strides = array<i32>} : memref<128xf32, #tpu.memory_space<vmem>>, vector<16xf32>,
    %broadcast_in_dim3A_59 = arith.constant 0.000000e+00 : f32
    %broadcast_in_dim3A_60 = vector.broadcast %broadcast_in_dim3A_59 : f32 to vector<16xf32>
    %swap3A_61 = arith.constant 112 : index
    %swap3A_62 = tpu.vector_load %arg6[%swap3A_61] {strides = array<i32>} : memref<128xf32, #tpu.memory_space<vmem>>, vector<16xf32>,
    tpu.vector_store %arg6[%swap3A_61], %broadcast_in_dim3A_60 {strides = array<i32>} : memref<128xf32, #tpu.memory_space<vmem>>, vector<16xf32>,
    %mul3A_63 = arith.constant 640 : i32
    %mul3A_64 = arith.muli %arg1, %mul3A_63 : i32
    %add3A_65 = arith.constant 0 : i32
    %add3A_66 = arith.addi %mul3A_64, %add3A_65 : i32
    "tpu.region"() ({
      %run_scoped3A = tpu.sem_alloc : memref<!tpu.dma_semaphore, #tpu.memory_space<semaphore_mem>>
      %dma_start3A = tpu.memref_slice %arg7[%add3A_66] : memref<10240xf32, #tpu.memory_space<vmem_shared>> -> memref<128xf32, #tpu.memory_space<vmem_shared>>
      %dma_start3A_98 = tpu.memref_slice %arg7[%add3A_66] : memref<10240xf32, #tpu.memory_space<vmem_shared>> -> memref<128xf32, #tpu.memory_space<vmem_shared>>
      tpu.enqueue_dma source(%arg6 : memref<128xf32, #tpu.memory_space<vmem>>) target(%dma_start3A_98 : memref<128xf32, #tpu.memory_space<vmem_shared>>) target_semaphore(%run_scoped3A : memref<!tpu.dma_semaphore, #tpu.memory_space<semaphore_mem>>)
      %dma_wait3A = tpu.memref_slice %arg7[%add3A_66] : memref<10240xf32, #tpu.memory_space<vmem_shared>> -> memref<128xf32, #tpu.memory_space<vmem_shared>>
      %dma_wait3A_99 = tpu.memref_slice %arg7[%add3A_66] : memref<10240xf32, #tpu.memory_space<vmem_shared>> -> memref<128xf32, #tpu.memory_space<vmem_shared>>
      tpu.wait_dma2 semaphore(%run_scoped3A : memref<!tpu.dma_semaphore, #tpu.memory_space<semaphore_mem>>) src(%arg6 : memref<128xf32, #tpu.memory_space<vmem>>) dst(%dma_wait3A_99 : memref<128xf32, #tpu.memory_space<vmem_shared>>)
      tpu.yield
    }) : () -> ()
    %mul3A_67 = arith.constant 640 : i32
    %mul3A_68 = arith.muli %arg1, %mul3A_67 : i32
    %add3A_69 = arith.constant 128 : i32
    %add3A_70 = arith.addi %mul3A_68, %add3A_69 : i32
    "tpu.region"() ({
      %run_scoped3A = tpu.sem_alloc : memref<!tpu.dma_semaphore, #tpu.memory_space<semaphore_mem>>
      %dma_start3A = tpu.memref_slice %arg7[%add3A_70] : memref<10240xf32, #tpu.memory_space<vmem_shared>> -> memref<128xf32, #tpu.memory_space<vmem_shared>>
      %dma_start3A_98 = tpu.memref_slice %arg7[%add3A_70] : memref<10240xf32, #tpu.memory_space<vmem_shared>> -> memref<128xf32, #tpu.memory_space<vmem_shared>>
      tpu.enqueue_dma source(%arg6 : memref<128xf32, #tpu.memory_space<vmem>>) target(%dma_start3A_98 : memref<128xf32, #tpu.memory_space<vmem_shared>>) target_semaphore(%run_scoped3A : memref<!tpu.dma_semaphore, #tpu.memory_space<semaphore_mem>>)
      %dma_wait3A = tpu.memref_slice %arg7[%add3A_70] : memref<10240xf32, #tpu.memory_space<vmem_shared>> -> memref<128xf32, #tpu.memory_space<vmem_shared>>
      %dma_wait3A_99 = tpu.memref_slice %arg7[%add3A_70] : memref<10240xf32, #tpu.memory_space<vmem_shared>> -> memref<128xf32, #tpu.memory_space<vmem_shared>>
      tpu.wait_dma2 semaphore(%run_scoped3A : memref<!tpu.dma_semaphore, #tpu.memory_space<semaphore_mem>>) src(%arg6 : memref<128xf32, #tpu.memory_space<vmem>>) dst(%dma_wait3A_99 : memref<128xf32, #tpu.memory_space<vmem_shared>>)
      tpu.yield
    }) : () -> ()
    %mul3A_71 = arith.constant 640 : i32
    %mul3A_72 = arith.muli %arg1, %mul3A_71 : i32
    %add3A_73 = arith.constant 256 : i32
    %add3A_74 = arith.addi %mul3A_72, %add3A_73 : i32
    "tpu.region"() ({
      %run_scoped3A = tpu.sem_alloc : memref<!tpu.dma_semaphore, #tpu.memory_space<semaphore_mem>>
      %dma_start3A = tpu.memref_slice %arg7[%add3A_74] : memref<10240xf32, #tpu.memory_space<vmem_shared>> -> memref<128xf32, #tpu.memory_space<vmem_shared>>
      %dma_start3A_98 = tpu.memref_slice %arg7[%add3A_74] : memref<10240xf32, #tpu.memory_space<vmem_shared>> -> memref<128xf32, #tpu.memory_space<vmem_shared>>
      tpu.enqueue_dma source(%arg6 : memref<128xf32, #tpu.memory_space<vmem>>) target(%dma_start3A_98 : memref<128xf32, #tpu.memory_space<vmem_shared>>) target_semaphore(%run_scoped3A : memref<!tpu.dma_semaphore, #tpu.memory_space<semaphore_mem>>)
      %dma_wait3A = tpu.memref_slice %arg7[%add3A_74] : memref<10240xf32, #tpu.memory_space<vmem_shared>> -> memref<128xf32, #tpu.memory_space<vmem_shared>>
      %dma_wait3A_99 = tpu.memref_slice %arg7[%add3A_74] : memref<10240xf32, #tpu.memory_space<vmem_shared>> -> memref<128xf32, #tpu.memory_space<vmem_shared>>
      tpu.wait_dma2 semaphore(%run_scoped3A : memref<!tpu.dma_semaphore, #tpu.memory_space<semaphore_mem>>) src(%arg6 : memref<128xf32, #tpu.memory_space<vmem>>) dst(%dma_wait3A_99 : memref<128xf32, #tpu.memory_space<vmem_shared>>)
      tpu.yield
    }) : () -> ()
    %mul3A_75 = arith.constant 640 : i32
    %mul3A_76 = arith.muli %arg1, %mul3A_75 : i32
    %add3A_77 = arith.constant 384 : i32
    %add3A_78 = arith.addi %mul3A_76, %add3A_77 : i32
    "tpu.region"() ({
      %run_scoped3A = tpu.sem_alloc : memref<!tpu.dma_semaphore, #tpu.memory_space<semaphore_mem>>
      %dma_start3A = tpu.memref_slice %arg7[%add3A_78] : memref<10240xf32, #tpu.memory_space<vmem_shared>> -> memref<128xf32, #tpu.memory_space<vmem_shared>>
      %dma_start3A_98 = tpu.memref_slice %arg7[%add3A_78] : memref<10240xf32, #tpu.memory_space<vmem_shared>> -> memref<128xf32, #tpu.memory_space<vmem_shared>>
      tpu.enqueue_dma source(%arg6 : memref<128xf32, #tpu.memory_space<vmem>>) target(%dma_start3A_98 : memref<128xf32, #tpu.memory_space<vmem_shared>>) target_semaphore(%run_scoped3A : memref<!tpu.dma_semaphore, #tpu.memory_space<semaphore_mem>>)
      %dma_wait3A = tpu.memref_slice %arg7[%add3A_78] : memref<10240xf32, #tpu.memory_space<vmem_shared>> -> memref<128xf32, #tpu.memory_space<vmem_shared>>
      %dma_wait3A_99 = tpu.memref_slice %arg7[%add3A_78] : memref<10240xf32, #tpu.memory_space<vmem_shared>> -> memref<128xf32, #tpu.memory_space<vmem_shared>>
      tpu.wait_dma2 semaphore(%run_scoped3A : memref<!tpu.dma_semaphore, #tpu.memory_space<semaphore_mem>>) src(%arg6 : memref<128xf32, #tpu.memory_space<vmem>>) dst(%dma_wait3A_99 : memref<128xf32, #tpu.memory_space<vmem_shared>>)
      tpu.yield
    }) : () -> ()
    %mul3A_79 = arith.constant 640 : i32
    %mul3A_80 = arith.muli %arg1, %mul3A_79 : i32
    %add3A_81 = arith.constant 512 : i32
    %add3A_82 = arith.addi %mul3A_80, %add3A_81 : i32
    "tpu.region"() ({
      %run_scoped3A = tpu.sem_alloc : memref<!tpu.dma_semaphore, #tpu.memory_space<semaphore_mem>>
      %dma_start3A = tpu.memref_slice %arg7[%add3A_82] : memref<10240xf32, #tpu.memory_space<vmem_shared>> -> memref<128xf32, #tpu.memory_space<vmem_shared>>
      %dma_start3A_98 = tpu.memref_slice %arg7[%add3A_82] : memref<10240xf32, #tpu.memory_space<vmem_shared>> -> memref<128xf32, #tpu.memory_space<vmem_shared>>
      tpu.enqueue_dma source(%arg6 : memref<128xf32, #tpu.memory_space<vmem>>) target(%dma_start3A_98 : memref<128xf32, #tpu.memory_space<vmem_shared>>) target_semaphore(%run_scoped3A : memref<!tpu.dma_semaphore, #tpu.memory_space<semaphore_mem>>)
      %dma_wait3A = tpu.memref_slice %arg7[%add3A_82] : memref<10240xf32, #tpu.memory_space<vmem_shared>> -> memref<128xf32, #tpu.memory_space<vmem_shared>>
      %dma_wait3A_99 = tpu.memref_slice %arg7[%add3A_82] : memref<10240xf32, #tpu.memory_space<vmem_shared>> -> memref<128xf32, #tpu.memory_space<vmem_shared>>
      tpu.wait_dma2 semaphore(%run_scoped3A : memref<!tpu.dma_semaphore, #tpu.memory_space<semaphore_mem>>) src(%arg6 : memref<128xf32, #tpu.memory_space<vmem>>) dst(%dma_wait3A_99 : memref<128xf32, #tpu.memory_space<vmem_shared>>)
      tpu.yield
    }) : () -> ()
    %mul3A_83 = arith.constant 80 : i32
    %mul3A_84 = arith.muli %add3A, %mul3A_83 : i32
    "tpu.region"() ({
      %run_scoped3A = tpu.sem_alloc : memref<!tpu.dma_semaphore, #tpu.memory_space<semaphore_mem>>
      %dma_start3A = arith.constant 0 : i32
      %dma_start3A_98 = tpu.memref_slice %arg2[%mul3A_84, %dma_start3A] : memref<2560x128xi32, #tpu.memory_space<hbm>> -> memref<80x128xi32, #tpu.memory_space<hbm>>
      %dma_start3A_99 = arith.constant 0 : i32
      %dma_start3A_100 = tpu.memref_slice %arg2[%mul3A_84, %dma_start3A_99] : memref<2560x128xi32, #tpu.memory_space<hbm>> -> memref<80x128xi32, #tpu.memory_space<hbm>>
      tpu.enqueue_dma source(%dma_start3A_100 : memref<80x128xi32, #tpu.memory_space<hbm>>) target(%arg4 : memref<80x128xi32, #tpu.memory_space<vmem>>) target_semaphore(%run_scoped3A : memref<!tpu.dma_semaphore, #tpu.memory_space<semaphore_mem>>)
      %dma_wait3A = arith.constant 0 : i32
      %dma_wait3A_101 = tpu.memref_slice %arg2[%mul3A_84, %dma_wait3A] : memref<2560x128xi32, #tpu.memory_space<hbm>> -> memref<80x128xi32, #tpu.memory_space<hbm>>
      %dma_wait3A_102 = arith.constant 0 : i32
      %dma_wait3A_103 = tpu.memref_slice %arg2[%mul3A_84, %dma_wait3A_102] : memref<2560x128xi32, #tpu.memory_space<hbm>> -> memref<80x128xi32, #tpu.memory_space<hbm>>
      tpu.wait_dma2 semaphore(%run_scoped3A : memref<!tpu.dma_semaphore, #tpu.memory_space<semaphore_mem>>) src(%dma_wait3A_103 : memref<80x128xi32, #tpu.memory_space<hbm>>) dst(%arg4 : memref<80x128xi32, #tpu.memory_space<vmem>>)
      tpu.yield
    }) : () -> ()
    %barrier3A = arith.constant 0 : index
    tpu.barrier barrier_id(%barrier3A)
    %scan3A = arith.constant 0 : i32
    %scan3A_85 = arith.constant 0 : i32
    %scan3A_86 = arith.constant 80 : i32
    %scan3A_87 = arith.addi %scan3A_85, %scan3A_86 : i32
    %scan3A_88 = arith.constant 1 : i32
    scf.for %scan3A_98 = %scan3A_85 to %scan3A_87 step %scan3A_88  : i32 {
      "tpu.region"() ({
        %run_scoped3A = tpu.sem_alloc : memref<!tpu.dma_semaphore, #tpu.memory_space<semaphore_mem>>
        %dma_start3A = arith.constant 0 : i32
        %dma_start3A_99 = tpu.memref_slice %arg4[%scan3A_98, %dma_start3A] : memref<80x128xi32, #tpu.memory_space<vmem>> -> memref<1x128xi32, #tpu.memory_space<vmem>>
        %dma_start3A_100 = tpu.memref_squeeze %dma_start3A_99 : memref<1x128xi32, #tpu.memory_space<vmem>> -> memref<128xi32, #tpu.memory_space<vmem>>
        %dma_start3A_101 = arith.constant 0 : i32
        %dma_start3A_102 = tpu.memref_slice %arg7[%dma_start3A_101] : memref<10240xf32, #tpu.memory_space<vmem_shared>> -> memref<10240xf32, #tpu.memory_space<vmem_shared>>
        tpu.enqueue_indirect_dma source(%arg5 : memref<128xf32, #tpu.memory_space<vmem>>) target(%dma_start3A_102 : memref<10240xf32, #tpu.memory_space<vmem_shared>>) offsets(%dma_start3A_100 : memref<128xi32, #tpu.memory_space<vmem>>) semaphore(%run_scoped3A : memref<!tpu.dma_semaphore, #tpu.memory_space<semaphore_mem>>) {add = true}
        %dma_wait3A = arith.constant 0 : i32
        %dma_wait3A_103 = tpu.memref_slice %arg4[%scan3A_98, %dma_wait3A] : memref<80x128xi32, #tpu.memory_space<vmem>> -> memref<1x128xi32, #tpu.memory_space<vmem>>
        %dma_wait3A_104 = tpu.memref_squeeze %dma_wait3A_103 : memref<1x128xi32, #tpu.memory_space<vmem>> -> memref<128xi32, #tpu.memory_space<vmem>>
        %dma_wait3A_105 = arith.constant 0 : i32
        %dma_wait3A_106 = tpu.memref_slice %arg7[%dma_wait3A_105] : memref<10240xf32, #tpu.memory_space<vmem_shared>> -> memref<10240xf32, #tpu.memory_space<vmem_shared>>
        tpu.wait_indirect_dma semaphore(%run_scoped3A : memref<!tpu.dma_semaphore, #tpu.memory_space<semaphore_mem>>) src(%arg5 : memref<128xf32, #tpu.memory_space<vmem>>) dst(%dma_wait3A_106 : memref<10240xf32, #tpu.memory_space<vmem_shared>>)
        tpu.yield
      }) : () -> ()
    }
    %scan3A_89 = arith.constant 80 : i32
    %barrier3A_90 = arith.constant 0 : index
    tpu.barrier barrier_id(%barrier3A_90)
    %mul3A_91 = arith.constant 640 : i32
    %mul3A_92 = arith.muli %arg1, %mul3A_91 : i32
    %mul3A_93 = arith.constant 10240 : i32
    %mul3A_94 = arith.muli %arg0, %mul3A_93 : i32
    %mul3A_95 = arith.constant 640 : i32
    %mul3A_96 = arith.muli %arg1, %mul3A_95 : i32
    %add3A_97 = arith.addi %mul3A_94, %mul3A_96 : i32
    "tpu.region"() ({
      %run_scoped3A = tpu.sem_alloc : memref<!tpu.dma_semaphore, #tpu.memory_space<semaphore_mem>>
      %dma_start3A = tpu.memref_slice %arg3[%add3A_97] : memref<20480xf32, #tpu.memory_space<hbm>> -> memref<640xf32, #tpu.memory_space<hbm>>
      %dma_start3A_98 = tpu.memref_slice %arg7[%mul3A_92] : memref<10240xf32, #tpu.memory_space<vmem_shared>> -> memref<640xf32, #tpu.memory_space<vmem_shared>>
      tpu.enqueue_dma source(%dma_start3A_98 : memref<640xf32, #tpu.memory_space<vmem_shared>>) target(%dma_start3A : memref<640xf32, #tpu.memory_space<hbm>>) target_semaphore(%run_scoped3A : memref<!tpu.dma_semaphore, #tpu.memory_space<semaphore_mem>>)
      %dma_wait3A = tpu.memref_slice %arg3[%add3A_97] : memref<20480xf32, #tpu.memory_space<hbm>> -> memref<640xf32, #tpu.memory_space<hbm>>
      %dma_wait3A_99 = tpu.memref_slice %arg7[%mul3A_92] : memref<10240xf32, #tpu.memory_space<vmem_shared>> -> memref<640xf32, #tpu.memory_space<vmem_shared>>
      tpu.wait_dma2 semaphore(%run_scoped3A : memref<!tpu.dma_semaphore, #tpu.memory_space<semaphore_mem>>) src(%dma_wait3A_99 : memref<640xf32, #tpu.memory_space<vmem_shared>>) dst(%dma_wait3A : memref<640xf32, #tpu.memory_space<hbm>>)
      tpu.yield
    }) : () -> ()
    return
  }
}

#map = affine_map<(d0, d1) -> (0, 0)>
module attributes {stable_mosaic.version = 14 : i64} {
  func.func @_hop_body(%arg0: i32, %arg1: i32, %arg2: memref<10240x128xf32, #tpu.memory_space<hbm>>, %arg3: memref<2560x128xi32, #tpu.memory_space<hbm>>, %arg4: memref<2560x128xi32, #tpu.memory_space<hbm>>, %arg5: memref<10240x128xf32, #tpu.memory_space<hbm>>, %arg6: memref<20480x128xf32, #tpu.memory_space<hbm>>, %arg7: memref<80x128xi32, #tpu.memory_space<vmem>>, %arg8: memref<80x128xi32, #tpu.memory_space<vmem>>, %arg9: memref<128x128xf32, #tpu.memory_space<vmem>>, %arg10: memref<10240x128xf32, #tpu.memory_space<vmem_shared>>, %arg11: memref<!tpu.dma_semaphore, #tpu.memory_space<semaphore_mem>>) attributes {dimension_semantics = [#tpu.dimension_semantics<core_parallel>, #tpu.dimension_semantics<subcore_parallel>], iteration_bounds = array<i64: 2, 16>, scalar_prefetch = 0 : i64, scratch_operands = 5 : i64, tpu.core_type = #tpu.core_type<sc_vector_subcore>, window_params = [{transform_indices = #map}, {transform_indices = #map}, {transform_indices = #map}, {transform_indices = #map}, {transform_indices = #map}]} {
    %mul3A = arith.constant 2 : i32
    %mul3A_0 = arith.muli %arg1, %mul3A : i32
    %add3A = arith.addi %mul3A_0, %arg0 : i32
    %mul3A_1 = arith.constant 640 : i32
    %mul3A_2 = arith.muli %arg1, %mul3A_1 : i32
    %mul3A_3 = arith.constant 640 : i32
    %mul3A_4 = arith.muli %arg1, %mul3A_3 : i32
    "tpu.region"() ({
      %run_scoped3A = tpu.sem_alloc : memref<!tpu.dma_semaphore, #tpu.memory_space<semaphore_mem>>
      %dma_start3A = arith.constant 0 : i32
      %dma_start3A_22 = tpu.memref_slice %arg10[%mul3A_4, %dma_start3A] : memref<10240x128xf32, #tpu.memory_space<vmem_shared>> -> memref<640x128xf32, #tpu.memory_space<vmem_shared>>
      %dma_start3A_23 = arith.constant 0 : i32
      %dma_start3A_24 = tpu.memref_slice %arg5[%mul3A_2, %dma_start3A_23] : memref<10240x128xf32, #tpu.memory_space<hbm>> -> memref<640x128xf32, #tpu.memory_space<hbm>>
      tpu.enqueue_dma source(%dma_start3A_24 : memref<640x128xf32, #tpu.memory_space<hbm>>) target(%dma_start3A_22 : memref<640x128xf32, #tpu.memory_space<vmem_shared>>) target_semaphore(%run_scoped3A : memref<!tpu.dma_semaphore, #tpu.memory_space<semaphore_mem>>)
      %dma_wait3A = arith.constant 0 : i32
      %dma_wait3A_25 = tpu.memref_slice %arg10[%mul3A_4, %dma_wait3A] : memref<10240x128xf32, #tpu.memory_space<vmem_shared>> -> memref<640x128xf32, #tpu.memory_space<vmem_shared>>
      %dma_wait3A_26 = arith.constant 0 : i32
      %dma_wait3A_27 = tpu.memref_slice %arg5[%mul3A_2, %dma_wait3A_26] : memref<10240x128xf32, #tpu.memory_space<hbm>> -> memref<640x128xf32, #tpu.memory_space<hbm>>
      tpu.wait_dma2 semaphore(%run_scoped3A : memref<!tpu.dma_semaphore, #tpu.memory_space<semaphore_mem>>) src(%dma_wait3A_27 : memref<640x128xf32, #tpu.memory_space<hbm>>) dst(%dma_wait3A_25 : memref<640x128xf32, #tpu.memory_space<vmem_shared>>)
      tpu.yield
    }) : () -> ()
    %mul3A_5 = arith.constant 80 : i32
    %mul3A_6 = arith.muli %add3A, %mul3A_5 : i32
    "tpu.region"() ({
      %run_scoped3A = tpu.sem_alloc : memref<!tpu.dma_semaphore, #tpu.memory_space<semaphore_mem>>
      %dma_start3A = arith.constant 0 : i32
      %dma_start3A_22 = tpu.memref_slice %arg3[%mul3A_6, %dma_start3A] : memref<2560x128xi32, #tpu.memory_space<hbm>> -> memref<80x128xi32, #tpu.memory_space<hbm>>
      %dma_start3A_23 = arith.constant 0 : i32
      %dma_start3A_24 = tpu.memref_slice %arg3[%mul3A_6, %dma_start3A_23] : memref<2560x128xi32, #tpu.memory_space<hbm>> -> memref<80x128xi32, #tpu.memory_space<hbm>>
      tpu.enqueue_dma source(%dma_start3A_24 : memref<80x128xi32, #tpu.memory_space<hbm>>) target(%arg7 : memref<80x128xi32, #tpu.memory_space<vmem>>) target_semaphore(%run_scoped3A : memref<!tpu.dma_semaphore, #tpu.memory_space<semaphore_mem>>)
      %dma_wait3A = arith.constant 0 : i32
      %dma_wait3A_25 = tpu.memref_slice %arg3[%mul3A_6, %dma_wait3A] : memref<2560x128xi32, #tpu.memory_space<hbm>> -> memref<80x128xi32, #tpu.memory_space<hbm>>
      %dma_wait3A_26 = arith.constant 0 : i32
      %dma_wait3A_27 = tpu.memref_slice %arg3[%mul3A_6, %dma_wait3A_26] : memref<2560x128xi32, #tpu.memory_space<hbm>> -> memref<80x128xi32, #tpu.memory_space<hbm>>
      tpu.wait_dma2 semaphore(%run_scoped3A : memref<!tpu.dma_semaphore, #tpu.memory_space<semaphore_mem>>) src(%dma_wait3A_27 : memref<80x128xi32, #tpu.memory_space<hbm>>) dst(%arg7 : memref<80x128xi32, #tpu.memory_space<vmem>>)
      tpu.yield
    }) : () -> ()
    %mul3A_7 = arith.constant 80 : i32
    %mul3A_8 = arith.muli %add3A, %mul3A_7 : i32
    "tpu.region"() ({
      %run_scoped3A = tpu.sem_alloc : memref<!tpu.dma_semaphore, #tpu.memory_space<semaphore_mem>>
      %dma_start3A = arith.constant 0 : i32
      %dma_start3A_22 = tpu.memref_slice %arg4[%mul3A_8, %dma_start3A] : memref<2560x128xi32, #tpu.memory_space<hbm>> -> memref<80x128xi32, #tpu.memory_space<hbm>>
      %dma_start3A_23 = arith.constant 0 : i32
      %dma_start3A_24 = tpu.memref_slice %arg4[%mul3A_8, %dma_start3A_23] : memref<2560x128xi32, #tpu.memory_space<hbm>> -> memref<80x128xi32, #tpu.memory_space<hbm>>
      tpu.enqueue_dma source(%dma_start3A_24 : memref<80x128xi32, #tpu.memory_space<hbm>>) target(%arg8 : memref<80x128xi32, #tpu.memory_space<vmem>>) target_semaphore(%run_scoped3A : memref<!tpu.dma_semaphore, #tpu.memory_space<semaphore_mem>>)
      %dma_wait3A = arith.constant 0 : i32
      %dma_wait3A_25 = tpu.memref_slice %arg4[%mul3A_8, %dma_wait3A] : memref<2560x128xi32, #tpu.memory_space<hbm>> -> memref<80x128xi32, #tpu.memory_space<hbm>>
      %dma_wait3A_26 = arith.constant 0 : i32
      %dma_wait3A_27 = tpu.memref_slice %arg4[%mul3A_8, %dma_wait3A_26] : memref<2560x128xi32, #tpu.memory_space<hbm>> -> memref<80x128xi32, #tpu.memory_space<hbm>>
      tpu.wait_dma2 semaphore(%run_scoped3A : memref<!tpu.dma_semaphore, #tpu.memory_space<semaphore_mem>>) src(%dma_wait3A_27 : memref<80x128xi32, #tpu.memory_space<hbm>>) dst(%arg8 : memref<80x128xi32, #tpu.memory_space<vmem>>)
      tpu.yield
    }) : () -> ()
    %barrier3A = arith.constant 0 : index
    tpu.barrier barrier_id(%barrier3A)
    %scan3A = arith.constant 0 : i32
    %scan3A_9 = arith.constant 0 : i32
    %scan3A_10 = arith.constant 80 : i32
    %scan3A_11 = arith.addi %scan3A_9, %scan3A_10 : i32
    %scan3A_12 = arith.constant 1 : i32
    scf.for %scan3A_22 = %scan3A_9 to %scan3A_11 step %scan3A_12  : i32 {
      %dma_start3A = arith.constant 0 : i32
      %dma_start3A_23 = tpu.memref_slice %arg7[%scan3A_22, %dma_start3A] : memref<80x128xi32, #tpu.memory_space<vmem>> -> memref<1x128xi32, #tpu.memory_space<vmem>>
      %dma_start3A_24 = tpu.memref_squeeze %dma_start3A_23 : memref<1x128xi32, #tpu.memory_space<vmem>> -> memref<128xi32, #tpu.memory_space<vmem>>
      %dma_start3A_25 = arith.constant 0 : i32
      %dma_start3A_26 = arith.constant 0 : i32
      %dma_start3A_27 = tpu.memref_slice %arg2[%dma_start3A_25, %dma_start3A_26] : memref<10240x128xf32, #tpu.memory_space<hbm>> -> memref<10240x128xf32, #tpu.memory_space<hbm>>
      tpu.enqueue_indirect_dma source(%dma_start3A_27 : memref<10240x128xf32, #tpu.memory_space<hbm>>) target(%arg9 : memref<128x128xf32, #tpu.memory_space<vmem>>) offsets(%dma_start3A_24 : memref<128xi32, #tpu.memory_space<vmem>>) semaphore(%arg11 : memref<!tpu.dma_semaphore, #tpu.memory_space<semaphore_mem>>)
      %dma_wait3A = arith.constant 0 : i32
      %dma_wait3A_28 = tpu.memref_slice %arg7[%scan3A_22, %dma_wait3A] : memref<80x128xi32, #tpu.memory_space<vmem>> -> memref<1x128xi32, #tpu.memory_space<vmem>>
      %dma_wait3A_29 = tpu.memref_squeeze %dma_wait3A_28 : memref<1x128xi32, #tpu.memory_space<vmem>> -> memref<128xi32, #tpu.memory_space<vmem>>
      %dma_wait3A_30 = arith.constant 0 : i32
      %dma_wait3A_31 = arith.constant 0 : i32
      %dma_wait3A_32 = tpu.memref_slice %arg2[%dma_wait3A_30, %dma_wait3A_31] : memref<10240x128xf32, #tpu.memory_space<hbm>> -> memref<10240x128xf32, #tpu.memory_space<hbm>>
      tpu.wait_indirect_dma semaphore(%arg11 : memref<!tpu.dma_semaphore, #tpu.memory_space<semaphore_mem>>) src(%dma_wait3A_32 : memref<10240x128xf32, #tpu.memory_space<hbm>>) dst(%arg9 : memref<128x128xf32, #tpu.memory_space<vmem>>)
      "tpu.region"() ({
        %run_scoped3A = tpu.sem_alloc : memref<!tpu.dma_semaphore, #tpu.memory_space<semaphore_mem>>
        %dma_start3A_33 = arith.constant 0 : i32
        %dma_start3A_34 = tpu.memref_slice %arg8[%scan3A_22, %dma_start3A_33] : memref<80x128xi32, #tpu.memory_space<vmem>> -> memref<1x128xi32, #tpu.memory_space<vmem>>
        %dma_start3A_35 = tpu.memref_squeeze %dma_start3A_34 : memref<1x128xi32, #tpu.memory_space<vmem>> -> memref<128xi32, #tpu.memory_space<vmem>>
        %dma_start3A_36 = arith.constant 0 : i32
        %dma_start3A_37 = arith.constant 0 : i32
        %dma_start3A_38 = tpu.memref_slice %arg10[%dma_start3A_36, %dma_start3A_37] : memref<10240x128xf32, #tpu.memory_space<vmem_shared>> -> memref<10240x128xf32, #tpu.memory_space<vmem_shared>>
        tpu.enqueue_indirect_dma source(%arg9 : memref<128x128xf32, #tpu.memory_space<vmem>>) target(%dma_start3A_38 : memref<10240x128xf32, #tpu.memory_space<vmem_shared>>) offsets(%dma_start3A_35 : memref<128xi32, #tpu.memory_space<vmem>>) semaphore(%run_scoped3A : memref<!tpu.dma_semaphore, #tpu.memory_space<semaphore_mem>>) {add = true}
        %dma_wait3A_39 = arith.constant 0 : i32
        %dma_wait3A_40 = tpu.memref_slice %arg8[%scan3A_22, %dma_wait3A_39] : memref<80x128xi32, #tpu.memory_space<vmem>> -> memref<1x128xi32, #tpu.memory_space<vmem>>
        %dma_wait3A_41 = tpu.memref_squeeze %dma_wait3A_40 : memref<1x128xi32, #tpu.memory_space<vmem>> -> memref<128xi32, #tpu.memory_space<vmem>>
        %dma_wait3A_42 = arith.constant 0 : i32
        %dma_wait3A_43 = arith.constant 0 : i32
        %dma_wait3A_44 = tpu.memref_slice %arg10[%dma_wait3A_42, %dma_wait3A_43] : memref<10240x128xf32, #tpu.memory_space<vmem_shared>> -> memref<10240x128xf32, #tpu.memory_space<vmem_shared>>
        tpu.wait_indirect_dma semaphore(%run_scoped3A : memref<!tpu.dma_semaphore, #tpu.memory_space<semaphore_mem>>) src(%arg9 : memref<128x128xf32, #tpu.memory_space<vmem>>) dst(%dma_wait3A_44 : memref<10240x128xf32, #tpu.memory_space<vmem_shared>>)
        tpu.yield
      }) : () -> ()
    }
    %scan3A_13 = arith.constant 80 : i32
    %barrier3A_14 = arith.constant 0 : index
    tpu.barrier barrier_id(%barrier3A_14)
    %mul3A_15 = arith.constant 640 : i32
    %mul3A_16 = arith.muli %arg1, %mul3A_15 : i32
    %mul3A_17 = arith.constant 10240 : i32
    %mul3A_18 = arith.muli %arg0, %mul3A_17 : i32
    %mul3A_19 = arith.constant 640 : i32
    %mul3A_20 = arith.muli %arg1, %mul3A_19 : i32
    %add3A_21 = arith.addi %mul3A_18, %mul3A_20 : i32
    "tpu.region"() ({
      %run_scoped3A = tpu.sem_alloc : memref<!tpu.dma_semaphore, #tpu.memory_space<semaphore_mem>>
      %dma_start3A = arith.constant 0 : i32
      %dma_start3A_22 = tpu.memref_slice %arg6[%add3A_21, %dma_start3A] : memref<20480x128xf32, #tpu.memory_space<hbm>> -> memref<640x128xf32, #tpu.memory_space<hbm>>
      %dma_start3A_23 = arith.constant 0 : i32
      %dma_start3A_24 = tpu.memref_slice %arg10[%mul3A_16, %dma_start3A_23] : memref<10240x128xf32, #tpu.memory_space<vmem_shared>> -> memref<640x128xf32, #tpu.memory_space<vmem_shared>>
      tpu.enqueue_dma source(%dma_start3A_24 : memref<640x128xf32, #tpu.memory_space<vmem_shared>>) target(%dma_start3A_22 : memref<640x128xf32, #tpu.memory_space<hbm>>) target_semaphore(%run_scoped3A : memref<!tpu.dma_semaphore, #tpu.memory_space<semaphore_mem>>)
      %dma_wait3A = arith.constant 0 : i32
      %dma_wait3A_25 = tpu.memref_slice %arg6[%add3A_21, %dma_wait3A] : memref<20480x128xf32, #tpu.memory_space<hbm>> -> memref<640x128xf32, #tpu.memory_space<hbm>>
      %dma_wait3A_26 = arith.constant 0 : i32
      %dma_wait3A_27 = tpu.memref_slice %arg10[%mul3A_16, %dma_wait3A_26] : memref<10240x128xf32, #tpu.memory_space<vmem_shared>> -> memref<640x128xf32, #tpu.memory_space<vmem_shared>>
      tpu.wait_dma2 semaphore(%run_scoped3A : memref<!tpu.dma_semaphore, #tpu.memory_space<semaphore_mem>>) src(%dma_wait3A_27 : memref<640x128xf32, #tpu.memory_space<vmem_shared>>) dst(%dma_wait3A_25 : memref<640x128xf32, #tpu.memory_space<hbm>>)
      tpu.yield
    }) : () -> ()
    return
  }
}

#map = affine_map<(d0, d1) -> (0, 0)>
module attributes {stable_mosaic.version = 14 : i64} {
  func.func @_hop_body(%arg0: i32, %arg1: i32, %arg2: memref<10240x128xf32, #tpu.memory_space<hbm>>, %arg3: memref<2560x128xi32, #tpu.memory_space<hbm>>, %arg4: memref<2560x128xi32, #tpu.memory_space<hbm>>, %arg5: memref<10240x128xf32, #tpu.memory_space<hbm>>, %arg6: memref<20480x128xf32, #tpu.memory_space<hbm>>, %arg7: memref<80x128xi32, #tpu.memory_space<vmem>>, %arg8: memref<80x128xi32, #tpu.memory_space<vmem>>, %arg9: memref<128x128xf32, #tpu.memory_space<vmem>>, %arg10: memref<10240x128xf32, #tpu.memory_space<vmem_shared>>, %arg11: memref<!tpu.dma_semaphore, #tpu.memory_space<semaphore_mem>>) attributes {dimension_semantics = [#tpu.dimension_semantics<core_parallel>, #tpu.dimension_semantics<subcore_parallel>], iteration_bounds = array<i64: 2, 16>, scalar_prefetch = 0 : i64, scratch_operands = 5 : i64, tpu.core_type = #tpu.core_type<sc_vector_subcore>, window_params = [{transform_indices = #map}, {transform_indices = #map}, {transform_indices = #map}, {transform_indices = #map}, {transform_indices = #map}]} {
    %mul3A = arith.constant 2 : i32
    %mul3A_0 = arith.muli %arg1, %mul3A : i32
    %add3A = arith.addi %mul3A_0, %arg0 : i32
    %mul3A_1 = arith.constant 640 : i32
    %mul3A_2 = arith.muli %arg1, %mul3A_1 : i32
    %mul3A_3 = arith.constant 640 : i32
    %mul3A_4 = arith.muli %arg1, %mul3A_3 : i32
    "tpu.region"() ({
      %run_scoped3A = tpu.sem_alloc : memref<!tpu.dma_semaphore, #tpu.memory_space<semaphore_mem>>
      %dma_start3A = arith.constant 0 : i32
      %dma_start3A_22 = tpu.memref_slice %arg10[%mul3A_4, %dma_start3A] : memref<10240x128xf32, #tpu.memory_space<vmem_shared>> -> memref<640x128xf32, #tpu.memory_space<vmem_shared>>
      %dma_start3A_23 = arith.constant 0 : i32
      %dma_start3A_24 = tpu.memref_slice %arg5[%mul3A_2, %dma_start3A_23] : memref<10240x128xf32, #tpu.memory_space<hbm>> -> memref<640x128xf32, #tpu.memory_space<hbm>>
      tpu.enqueue_dma source(%dma_start3A_24 : memref<640x128xf32, #tpu.memory_space<hbm>>) target(%dma_start3A_22 : memref<640x128xf32, #tpu.memory_space<vmem_shared>>) target_semaphore(%run_scoped3A : memref<!tpu.dma_semaphore, #tpu.memory_space<semaphore_mem>>)
      %dma_wait3A = arith.constant 0 : i32
      %dma_wait3A_25 = tpu.memref_slice %arg10[%mul3A_4, %dma_wait3A] : memref<10240x128xf32, #tpu.memory_space<vmem_shared>> -> memref<640x128xf32, #tpu.memory_space<vmem_shared>>
      %dma_wait3A_26 = arith.constant 0 : i32
      %dma_wait3A_27 = tpu.memref_slice %arg5[%mul3A_2, %dma_wait3A_26] : memref<10240x128xf32, #tpu.memory_space<hbm>> -> memref<640x128xf32, #tpu.memory_space<hbm>>
      tpu.wait_dma2 semaphore(%run_scoped3A : memref<!tpu.dma_semaphore, #tpu.memory_space<semaphore_mem>>) src(%dma_wait3A_27 : memref<640x128xf32, #tpu.memory_space<hbm>>) dst(%dma_wait3A_25 : memref<640x128xf32, #tpu.memory_space<vmem_shared>>)
      tpu.yield
    }) : () -> ()
    %mul3A_5 = arith.constant 80 : i32
    %mul3A_6 = arith.muli %add3A, %mul3A_5 : i32
    "tpu.region"() ({
      %run_scoped3A = tpu.sem_alloc : memref<!tpu.dma_semaphore, #tpu.memory_space<semaphore_mem>>
      %dma_start3A = arith.constant 0 : i32
      %dma_start3A_22 = tpu.memref_slice %arg3[%mul3A_6, %dma_start3A] : memref<2560x128xi32, #tpu.memory_space<hbm>> -> memref<80x128xi32, #tpu.memory_space<hbm>>
      %dma_start3A_23 = arith.constant 0 : i32
      %dma_start3A_24 = tpu.memref_slice %arg3[%mul3A_6, %dma_start3A_23] : memref<2560x128xi32, #tpu.memory_space<hbm>> -> memref<80x128xi32, #tpu.memory_space<hbm>>
      tpu.enqueue_dma source(%dma_start3A_24 : memref<80x128xi32, #tpu.memory_space<hbm>>) target(%arg7 : memref<80x128xi32, #tpu.memory_space<vmem>>) target_semaphore(%run_scoped3A : memref<!tpu.dma_semaphore, #tpu.memory_space<semaphore_mem>>)
      %dma_wait3A = arith.constant 0 : i32
      %dma_wait3A_25 = tpu.memref_slice %arg3[%mul3A_6, %dma_wait3A] : memref<2560x128xi32, #tpu.memory_space<hbm>> -> memref<80x128xi32, #tpu.memory_space<hbm>>
      %dma_wait3A_26 = arith.constant 0 : i32
      %dma_wait3A_27 = tpu.memref_slice %arg3[%mul3A_6, %dma_wait3A_26] : memref<2560x128xi32, #tpu.memory_space<hbm>> -> memref<80x128xi32, #tpu.memory_space<hbm>>
      tpu.wait_dma2 semaphore(%run_scoped3A : memref<!tpu.dma_semaphore, #tpu.memory_space<semaphore_mem>>) src(%dma_wait3A_27 : memref<80x128xi32, #tpu.memory_space<hbm>>) dst(%arg7 : memref<80x128xi32, #tpu.memory_space<vmem>>)
      tpu.yield
    }) : () -> ()
    %mul3A_7 = arith.constant 80 : i32
    %mul3A_8 = arith.muli %add3A, %mul3A_7 : i32
    "tpu.region"() ({
      %run_scoped3A = tpu.sem_alloc : memref<!tpu.dma_semaphore, #tpu.memory_space<semaphore_mem>>
      %dma_start3A = arith.constant 0 : i32
      %dma_start3A_22 = tpu.memref_slice %arg4[%mul3A_8, %dma_start3A] : memref<2560x128xi32, #tpu.memory_space<hbm>> -> memref<80x128xi32, #tpu.memory_space<hbm>>
      %dma_start3A_23 = arith.constant 0 : i32
      %dma_start3A_24 = tpu.memref_slice %arg4[%mul3A_8, %dma_start3A_23] : memref<2560x128xi32, #tpu.memory_space<hbm>> -> memref<80x128xi32, #tpu.memory_space<hbm>>
      tpu.enqueue_dma source(%dma_start3A_24 : memref<80x128xi32, #tpu.memory_space<hbm>>) target(%arg8 : memref<80x128xi32, #tpu.memory_space<vmem>>) target_semaphore(%run_scoped3A : memref<!tpu.dma_semaphore, #tpu.memory_space<semaphore_mem>>)
      %dma_wait3A = arith.constant 0 : i32
      %dma_wait3A_25 = tpu.memref_slice %arg4[%mul3A_8, %dma_wait3A] : memref<2560x128xi32, #tpu.memory_space<hbm>> -> memref<80x128xi32, #tpu.memory_space<hbm>>
      %dma_wait3A_26 = arith.constant 0 : i32
      %dma_wait3A_27 = tpu.memref_slice %arg4[%mul3A_8, %dma_wait3A_26] : memref<2560x128xi32, #tpu.memory_space<hbm>> -> memref<80x128xi32, #tpu.memory_space<hbm>>
      tpu.wait_dma2 semaphore(%run_scoped3A : memref<!tpu.dma_semaphore, #tpu.memory_space<semaphore_mem>>) src(%dma_wait3A_27 : memref<80x128xi32, #tpu.memory_space<hbm>>) dst(%arg8 : memref<80x128xi32, #tpu.memory_space<vmem>>)
      tpu.yield
    }) : () -> ()
    %barrier3A = arith.constant 0 : index
    tpu.barrier barrier_id(%barrier3A)
    %scan3A = arith.constant 0 : i32
    %scan3A_9 = arith.constant 0 : i32
    %scan3A_10 = arith.constant 80 : i32
    %scan3A_11 = arith.addi %scan3A_9, %scan3A_10 : i32
    %scan3A_12 = arith.constant 1 : i32
    scf.for %scan3A_22 = %scan3A_9 to %scan3A_11 step %scan3A_12  : i32 {
      %dma_start3A = arith.constant 0 : i32
      %dma_start3A_23 = tpu.memref_slice %arg7[%scan3A_22, %dma_start3A] : memref<80x128xi32, #tpu.memory_space<vmem>> -> memref<1x128xi32, #tpu.memory_space<vmem>>
      %dma_start3A_24 = tpu.memref_squeeze %dma_start3A_23 : memref<1x128xi32, #tpu.memory_space<vmem>> -> memref<128xi32, #tpu.memory_space<vmem>>
      %dma_start3A_25 = arith.constant 0 : i32
      %dma_start3A_26 = arith.constant 0 : i32
      %dma_start3A_27 = tpu.memref_slice %arg2[%dma_start3A_25, %dma_start3A_26] : memref<10240x128xf32, #tpu.memory_space<hbm>> -> memref<10240x128xf32, #tpu.memory_space<hbm>>
      tpu.enqueue_indirect_dma source(%dma_start3A_27 : memref<10240x128xf32, #tpu.memory_space<hbm>>) target(%arg9 : memref<128x128xf32, #tpu.memory_space<vmem>>) offsets(%dma_start3A_24 : memref<128xi32, #tpu.memory_space<vmem>>) semaphore(%arg11 : memref<!tpu.dma_semaphore, #tpu.memory_space<semaphore_mem>>)
      %dma_wait3A = arith.constant 0 : i32
      %dma_wait3A_28 = tpu.memref_slice %arg7[%scan3A_22, %dma_wait3A] : memref<80x128xi32, #tpu.memory_space<vmem>> -> memref<1x128xi32, #tpu.memory_space<vmem>>
      %dma_wait3A_29 = tpu.memref_squeeze %dma_wait3A_28 : memref<1x128xi32, #tpu.memory_space<vmem>> -> memref<128xi32, #tpu.memory_space<vmem>>
      %dma_wait3A_30 = arith.constant 0 : i32
      %dma_wait3A_31 = arith.constant 0 : i32
      %dma_wait3A_32 = tpu.memref_slice %arg2[%dma_wait3A_30, %dma_wait3A_31] : memref<10240x128xf32, #tpu.memory_space<hbm>> -> memref<10240x128xf32, #tpu.memory_space<hbm>>
      tpu.wait_indirect_dma semaphore(%arg11 : memref<!tpu.dma_semaphore, #tpu.memory_space<semaphore_mem>>) src(%dma_wait3A_32 : memref<10240x128xf32, #tpu.memory_space<hbm>>) dst(%arg9 : memref<128x128xf32, #tpu.memory_space<vmem>>)
      "tpu.region"() ({
        %run_scoped3A = tpu.sem_alloc : memref<!tpu.dma_semaphore, #tpu.memory_space<semaphore_mem>>
        %dma_start3A_33 = arith.constant 0 : i32
        %dma_start3A_34 = tpu.memref_slice %arg8[%scan3A_22, %dma_start3A_33] : memref<80x128xi32, #tpu.memory_space<vmem>> -> memref<1x128xi32, #tpu.memory_space<vmem>>
        %dma_start3A_35 = tpu.memref_squeeze %dma_start3A_34 : memref<1x128xi32, #tpu.memory_space<vmem>> -> memref<128xi32, #tpu.memory_space<vmem>>
        %dma_start3A_36 = arith.constant 0 : i32
        %dma_start3A_37 = arith.constant 0 : i32
        %dma_start3A_38 = tpu.memref_slice %arg10[%dma_start3A_36, %dma_start3A_37] : memref<10240x128xf32, #tpu.memory_space<vmem_shared>> -> memref<10240x128xf32, #tpu.memory_space<vmem_shared>>
        tpu.enqueue_indirect_dma source(%arg9 : memref<128x128xf32, #tpu.memory_space<vmem>>) target(%dma_start3A_38 : memref<10240x128xf32, #tpu.memory_space<vmem_shared>>) offsets(%dma_start3A_35 : memref<128xi32, #tpu.memory_space<vmem>>) semaphore(%run_scoped3A : memref<!tpu.dma_semaphore, #tpu.memory_space<semaphore_mem>>) {add = true}
        %dma_wait3A_39 = arith.constant 0 : i32
        %dma_wait3A_40 = tpu.memref_slice %arg8[%scan3A_22, %dma_wait3A_39] : memref<80x128xi32, #tpu.memory_space<vmem>> -> memref<1x128xi32, #tpu.memory_space<vmem>>
        %dma_wait3A_41 = tpu.memref_squeeze %dma_wait3A_40 : memref<1x128xi32, #tpu.memory_space<vmem>> -> memref<128xi32, #tpu.memory_space<vmem>>
        %dma_wait3A_42 = arith.constant 0 : i32
        %dma_wait3A_43 = arith.constant 0 : i32
        %dma_wait3A_44 = tpu.memref_slice %arg10[%dma_wait3A_42, %dma_wait3A_43] : memref<10240x128xf32, #tpu.memory_space<vmem_shared>> -> memref<10240x128xf32, #tpu.memory_space<vmem_shared>>
        tpu.wait_indirect_dma semaphore(%run_scoped3A : memref<!tpu.dma_semaphore, #tpu.memory_space<semaphore_mem>>) src(%arg9 : memref<128x128xf32, #tpu.memory_space<vmem>>) dst(%dma_wait3A_44 : memref<10240x128xf32, #tpu.memory_space<vmem_shared>>)
        tpu.yield
      }) : () -> ()
    }
    %scan3A_13 = arith.constant 80 : i32
    %barrier3A_14 = arith.constant 0 : index
    tpu.barrier barrier_id(%barrier3A_14)
    %mul3A_15 = arith.constant 640 : i32
    %mul3A_16 = arith.muli %arg1, %mul3A_15 : i32
    %mul3A_17 = arith.constant 10240 : i32
    %mul3A_18 = arith.muli %arg0, %mul3A_17 : i32
    %mul3A_19 = arith.constant 640 : i32
    %mul3A_20 = arith.muli %arg1, %mul3A_19 : i32
    %add3A_21 = arith.addi %mul3A_18, %mul3A_20 : i32
    "tpu.region"() ({
      %run_scoped3A = tpu.sem_alloc : memref<!tpu.dma_semaphore, #tpu.memory_space<semaphore_mem>>
      %dma_start3A = arith.constant 0 : i32
      %dma_start3A_22 = tpu.memref_slice %arg6[%add3A_21, %dma_start3A] : memref<20480x128xf32, #tpu.memory_space<hbm>> -> memref<640x128xf32, #tpu.memory_space<hbm>>
      %dma_start3A_23 = arith.constant 0 : i32
      %dma_start3A_24 = tpu.memref_slice %arg10[%mul3A_16, %dma_start3A_23] : memref<10240x128xf32, #tpu.memory_space<vmem_shared>> -> memref<640x128xf32, #tpu.memory_space<vmem_shared>>
      tpu.enqueue_dma source(%dma_start3A_24 : memref<640x128xf32, #tpu.memory_space<vmem_shared>>) target(%dma_start3A_22 : memref<640x128xf32, #tpu.memory_space<hbm>>) target_semaphore(%run_scoped3A : memref<!tpu.dma_semaphore, #tpu.memory_space<semaphore_mem>>)
      %dma_wait3A = arith.constant 0 : i32
      %dma_wait3A_25 = tpu.memref_slice %arg6[%add3A_21, %dma_wait3A] : memref<20480x128xf32, #tpu.memory_space<hbm>> -> memref<640x128xf32, #tpu.memory_space<hbm>>
      %dma_wait3A_26 = arith.constant 0 : i32
      %dma_wait3A_27 = tpu.memref_slice %arg10[%mul3A_16, %dma_wait3A_26] : memref<10240x128xf32, #tpu.memory_space<vmem_shared>> -> memref<640x128xf32, #tpu.memory_space<vmem_shared>>
      tpu.wait_dma2 semaphore(%run_scoped3A : memref<!tpu.dma_semaphore, #tpu.memory_space<semaphore_mem>>) src(%dma_wait3A_27 : memref<640x128xf32, #tpu.memory_space<vmem_shared>>) dst(%dma_wait3A_25 : memref<640x128xf32, #tpu.memory_space<hbm>>)
      tpu.yield
    }) : () -> ()
    return
  }
}

module attributes {stable_mosaic.version = 14 : i64} {
  func.func @_scale0_tc_body(%arg0: i32, %arg1: memref<2048x1xf32, #tpu.memory_space<vmem>>, %arg2: memref<2048x1xf32, #tpu.memory_space<vmem>>, %arg3: memref<2048x128xf32, #tpu.memory_space<vmem>>, %arg4: memref<2048x128xf32, #tpu.memory_space<vmem>>, %arg5: memref<2048x1xf32, #tpu.memory_space<vmem>>, %arg6: memref<2048x1xf32, #tpu.memory_space<vmem>>) attributes {dimension_semantics = [#tpu.dimension_semantics<arbitrary>], iteration_bounds = array<i64: 5>, scalar_prefetch = 0 : i64, scratch_operands = 0 : i64, tpu.core_type = #tpu.core_type<tc>, window_params = [{transform_indices = @transform_0, window_bounds = array<i64: 2048, 1>}, {transform_indices = @transform_1, window_bounds = array<i64: 2048, 1>}, {transform_indices = @transform_2, window_bounds = array<i64: 2048, 128>}, {transform_indices = @transform_3, window_bounds = array<i64: 2048, 128>}, {transform_indices = @transform_4, window_bounds = array<i64: 2048, 1>}, {transform_indices = @transform_5, window_bounds = array<i64: 2048, 1>}]} {
    %get3A = arith.constant 0 : index
    %get3A_0 = arith.constant 0 : index
    %get3A_1 = vector.load %arg1[%get3A, %get3A_0] : memref<2048x1xf32, #tpu.memory_space<vmem>>, vector<2048x1xf32>
    %get3A_2 = arith.constant 0 : index
    %get3A_3 = arith.constant 0 : index
    %get3A_4 = vector.load %arg2[%get3A_2, %get3A_3] : memref<2048x1xf32, #tpu.memory_space<vmem>>, vector<2048x1xf32>
    %add3A = arith.addf %get3A_1, %get3A_4 : vector<2048x1xf32>
    %max3A = arith.constant 1.000000e+00 : f32
    %max3A_5 = vector.broadcast %max3A : f32 to vector<2048x1xf32>
    %max3A_6 = arith.maximumf %add3A, %max3A_5 : vector<2048x1xf32>
    %rsqrt3A = math.rsqrt %max3A_6 : vector<2048x1xf32>
    %swap3A = arith.constant 0 : index
    %swap3A_7 = arith.constant 0 : index
    %swap3A_8 = vector.load %arg5[%swap3A, %swap3A_7] : memref<2048x1xf32, #tpu.memory_space<vmem>>, vector<2048x1xf32>
    tpu.vector_store %arg5[%swap3A, %swap3A_7], %rsqrt3A {strides = array<i32>} : memref<2048x1xf32, #tpu.memory_space<vmem>>, vector<2048x1xf32>,
    %div3A = arith.constant 1.000000e+00 : f32
    %div3A_9 = vector.broadcast %div3A : f32 to vector<2048x1xf32>
    %div3A_10 = arith.divf %div3A_9, %max3A_6 : vector<2048x1xf32>
    %swap3A_11 = arith.constant 0 : index
    %swap3A_12 = arith.constant 0 : index
    %swap3A_13 = vector.load %arg6[%swap3A_11, %swap3A_12] : memref<2048x1xf32, #tpu.memory_space<vmem>>, vector<2048x1xf32>
    tpu.vector_store %arg6[%swap3A_11, %swap3A_12], %div3A_10 {strides = array<i32>} : memref<2048x1xf32, #tpu.memory_space<vmem>>, vector<2048x1xf32>,
    %get3A_14 = arith.constant 0 : index
    %get3A_15 = arith.constant 0 : index
    %get3A_16 = vector.load %arg3[%get3A_14, %get3A_15] : memref<2048x128xf32, #tpu.memory_space<vmem>>, vector<2048x128xf32>
    %mul3A = vector.broadcast %rsqrt3A : vector<2048x1xf32> to vector<2048x128xf32>
    %mul3A_17 = arith.mulf %get3A_16, %mul3A : vector<2048x128xf32>
    %swap3A_18 = arith.constant 0 : index
    %swap3A_19 = arith.constant 0 : index
    %swap3A_20 = vector.load %arg4[%swap3A_18, %swap3A_19] : memref<2048x128xf32, #tpu.memory_space<vmem>>, vector<2048x128xf32>
    tpu.vector_store %arg4[%swap3A_18, %swap3A_19], %mul3A_17 {strides = array<i32>} : memref<2048x128xf32, #tpu.memory_space<vmem>>, vector<2048x128xf32>,
    return
  }
  func.func @transform_0(%arg0: i32) -> (i32, i32) {
    %c0_i32 = arith.constant 0 : i32
    %c0_i32_0 = arith.constant 0 : i32
    return %arg0, %c0_i32 : i32, i32
  }
  func.func @transform_1(%arg0: i32) -> (i32, i32) {
    %c0_i32 = arith.constant 0 : i32
    %c0_i32_0 = arith.constant 0 : i32
    return %arg0, %c0_i32 : i32, i32
  }
  func.func @transform_2(%arg0: i32) -> (i32, i32) {
    %c0_i32 = arith.constant 0 : i32
    %c0_i32_0 = arith.constant 0 : i32
    return %arg0, %c0_i32 : i32, i32
  }
  func.func @transform_3(%arg0: i32) -> (i32, i32) {
    %c0_i32 = arith.constant 0 : i32
    %c0_i32_0 = arith.constant 0 : i32
    return %arg0, %c0_i32 : i32, i32
  }
  func.func @transform_4(%arg0: i32) -> (i32, i32) {
    %c0_i32 = arith.constant 0 : i32
    %c0_i32_0 = arith.constant 0 : i32
    return %arg0, %c0_i32 : i32, i32
  }
  func.func @transform_5(%arg0: i32) -> (i32, i32) {
    %c0_i32 = arith.constant 0 : i32
    %c0_i32_0 = arith.constant 0 : i32
    return %arg0, %c0_i32 : i32, i32
  }
}

module attributes {stable_mosaic.version = 14 : i64} {
  func.func @_combine_tc_body(%arg0: i32, %arg1: memref<2048x128xf32, #tpu.memory_space<vmem>>, %arg2: memref<2048x128xf32, #tpu.memory_space<vmem>>, %arg3: memref<2048x1xf32, #tpu.memory_space<vmem>>, %arg4: memref<2048x128xf32, #tpu.memory_space<vmem>>) attributes {dimension_semantics = [#tpu.dimension_semantics<arbitrary>], iteration_bounds = array<i64: 5>, scalar_prefetch = 0 : i64, scratch_operands = 0 : i64, tpu.core_type = #tpu.core_type<tc>, window_params = [{transform_indices = @transform_0, window_bounds = array<i64: 2048, 128>}, {transform_indices = @transform_1, window_bounds = array<i64: 2048, 128>}, {transform_indices = @transform_2, window_bounds = array<i64: 2048, 1>}, {transform_indices = @transform_3, window_bounds = array<i64: 2048, 128>}]} {
    %get3A = arith.constant 0 : index
    %get3A_0 = arith.constant 0 : index
    %get3A_1 = vector.load %arg1[%get3A, %get3A_0] : memref<2048x128xf32, #tpu.memory_space<vmem>>, vector<2048x128xf32>
    %get3A_2 = arith.constant 0 : index
    %get3A_3 = arith.constant 0 : index
    %get3A_4 = vector.load %arg2[%get3A_2, %get3A_3] : memref<2048x128xf32, #tpu.memory_space<vmem>>, vector<2048x128xf32>
    %add3A = arith.addf %get3A_1, %get3A_4 : vector<2048x128xf32>
    %get3A_5 = arith.constant 0 : index
    %get3A_6 = arith.constant 0 : index
    %get3A_7 = vector.load %arg3[%get3A_5, %get3A_6] : memref<2048x1xf32, #tpu.memory_space<vmem>>, vector<2048x1xf32>
    %mul3A = vector.broadcast %get3A_7 : vector<2048x1xf32> to vector<2048x128xf32>
    %mul3A_8 = arith.mulf %add3A, %mul3A : vector<2048x128xf32>
    %swap3A = arith.constant 0 : index
    %swap3A_9 = arith.constant 0 : index
    %swap3A_10 = vector.load %arg4[%swap3A, %swap3A_9] : memref<2048x128xf32, #tpu.memory_space<vmem>>, vector<2048x128xf32>
    tpu.vector_store %arg4[%swap3A, %swap3A_9], %mul3A_8 {strides = array<i32>} : memref<2048x128xf32, #tpu.memory_space<vmem>>, vector<2048x128xf32>,
    return
  }
  func.func @transform_0(%arg0: i32) -> (i32, i32) {
    %c0_i32 = arith.constant 0 : i32
    %c0_i32_0 = arith.constant 0 : i32
    return %arg0, %c0_i32 : i32, i32
  }
  func.func @transform_1(%arg0: i32) -> (i32, i32) {
    %add3A = arith.constant 5 : i32
    %add3A_0 = arith.addi %arg0, %add3A : i32
    %c0_i32 = arith.constant 0 : i32
    %c0_i32_1 = arith.constant 0 : i32
    return %add3A_0, %c0_i32 : i32, i32
  }
  func.func @transform_2(%arg0: i32) -> (i32, i32) {
    %c0_i32 = arith.constant 0 : i32
    %c0_i32_0 = arith.constant 0 : i32
    return %arg0, %c0_i32 : i32, i32
  }
  func.func @transform_3(%arg0: i32) -> (i32, i32) {
    %c0_i32 = arith.constant 0 : i32
    %c0_i32_0 = arith.constant 0 : i32
    return %arg0, %c0_i32 : i32, i32
  }
}

module attributes {stable_mosaic.version = 14 : i64} {
  func.func @_mm_body(%arg0: i32, %arg1: memref<2048x128xf32, #tpu.memory_space<vmem>>, %arg2: memref<2048x128xf32, #tpu.memory_space<vmem>>, %arg3: memref<2048x1xf32, #tpu.memory_space<vmem>>, %arg4: memref<128x128xf32, #tpu.memory_space<vmem>>, %arg5: memref<2048x128xf32, #tpu.memory_space<vmem>>) attributes {dimension_semantics = [#tpu.dimension_semantics<arbitrary>], iteration_bounds = array<i64: 5>, scalar_prefetch = 0 : i64, scratch_operands = 0 : i64, tpu.core_type = #tpu.core_type<tc>, window_params = [{transform_indices = @transform_0, window_bounds = array<i64: 2048, 128>}, {transform_indices = @transform_1, window_bounds = array<i64: 2048, 128>}, {transform_indices = @transform_2, window_bounds = array<i64: 2048, 1>}, {pipeline_mode = #tpu.pipeline_mode<synchronous>, transform_indices = @transform_3, window_bounds = array<i64: 128, 128>}, {transform_indices = @transform_4, window_bounds = array<i64: 2048, 128>}]} {
    %get3A = arith.constant 0 : index
    %get3A_0 = arith.constant 0 : index
    %get3A_1 = vector.load %arg1[%get3A, %get3A_0] : memref<2048x128xf32, #tpu.memory_space<vmem>>, vector<2048x128xf32>
    %get3A_2 = arith.constant 0 : index
    %get3A_3 = arith.constant 0 : index
    %get3A_4 = vector.load %arg2[%get3A_2, %get3A_3] : memref<2048x128xf32, #tpu.memory_space<vmem>>, vector<2048x128xf32>
    %add3A = arith.addf %get3A_1, %get3A_4 : vector<2048x128xf32>
    %get3A_5 = arith.constant 0 : index
    %get3A_6 = arith.constant 0 : index
    %get3A_7 = vector.load %arg3[%get3A_5, %get3A_6] : memref<2048x1xf32, #tpu.memory_space<vmem>>, vector<2048x1xf32>
    %mul3A = vector.broadcast %get3A_7 : vector<2048x1xf32> to vector<2048x128xf32>
    %mul3A_8 = arith.mulf %add3A, %mul3A : vector<2048x128xf32>
    %get3A_9 = arith.constant 0 : index
    %get3A_10 = arith.constant 0 : index
    %get3A_11 = vector.load %arg4[%get3A_9, %get3A_10] : memref<128x128xf32, #tpu.memory_space<vmem>>, vector<128x128xf32>
    %dot_general3A = arith.constant dense<0.000000e+00> : vector<2048x128xf32>
    %dot_general3A_12 = tpu.matmul %mul3A_8, %get3A_11, %dot_general3A {dimension_numbers = #tpu.dot_dimension_numbers<[1], [1], [0], [0], [0, 0, 1, 0], [], []>, transpose_lhs_hint = false} : vector<2048x128xf32>, vector<128x128xf32>, vector<2048x128xf32> -> vector<2048x128xf32>
    %swap3A = arith.constant 0 : index
    %swap3A_13 = arith.constant 0 : index
    %swap3A_14 = vector.load %arg5[%swap3A, %swap3A_13] : memref<2048x128xf32, #tpu.memory_space<vmem>>, vector<2048x128xf32>
    tpu.vector_store %arg5[%swap3A, %swap3A_13], %dot_general3A_12 {strides = array<i32>} : memref<2048x128xf32, #tpu.memory_space<vmem>>, vector<2048x128xf32>,
    return
  }
  func.func @transform_0(%arg0: i32) -> (i32, i32) {
    %c0_i32 = arith.constant 0 : i32
    %c0_i32_0 = arith.constant 0 : i32
    return %arg0, %c0_i32 : i32, i32
  }
  func.func @transform_1(%arg0: i32) -> (i32, i32) {
    %add3A = arith.constant 5 : i32
    %add3A_0 = arith.addi %arg0, %add3A : i32
    %c0_i32 = arith.constant 0 : i32
    %c0_i32_1 = arith.constant 0 : i32
    return %add3A_0, %c0_i32 : i32, i32
  }
  func.func @transform_2(%arg0: i32) -> (i32, i32) {
    %c0_i32 = arith.constant 0 : i32
    %c0_i32_0 = arith.constant 0 : i32
    return %arg0, %c0_i32 : i32, i32
  }
  func.func @transform_3(%arg0: i32) -> (i32, i32) {
    %c0_i32 = arith.constant 0 : i32
    %c0_i32_0 = arith.constant 0 : i32
    %c0_i32_1 = arith.constant 0 : i32
    return %c0_i32, %c0_i32_0 : i32, i32
  }
  func.func @transform_4(%arg0: i32) -> (i32, i32) {
    %c0_i32 = arith.constant 0 : i32
    %c0_i32_0 = arith.constant 0 : i32
    return %arg0, %c0_i32 : i32, i32
  }
}

</mosaic_0001>

<sc_bundles>
// kernel: kernel.11.cloned.1.call-start
scs
__scs_entry_jumppad:
0x0: {  	(pc) =	sbr.rel $0x88, $3  }
0x1: {  	(tag) =	ssettag $0x0;
	lr =	simm.s32 $0x1  }
0x2: {  	[smem:$0x3F9E] =	sst lr;
	_ =	strace $0xD0000000  }
0x3: {  	_ = 	snop  }
0x4: {  	_ = 	snop  }
0x5: {  	_ = 	snop  }
0x6: {  	_ = 	snop  }
0x7: {  	_ = 	snop  }
__scs_overlays_trampoline_lowered:
0x8: {  	[smem:$0x3FAD] =	sst s0  }
0x9: {  	[smem:$0x3FAE] =	sst s1  }
0xa: {  	[smem:$0x3FAF] =	sst s2  }
0xb: {  	[smem:$0x3FB0] =	sst s3  }
0xc: {  	[smem:$0x3FB1] =	sst s4  }
0xd: {  	[smem:$0x3FB2] =	sst s5  }
0xe: {  	[smem:$0x3FB3] =	sst s6  }
0xf: {  	[smem:$0x3FB4] =	sst s7  }
0x10: {  	[smem:$0x3FB5] =	sst s8  }
0x11: {  	[smem:$0x3FB6] =	sst s9;
	s0 =	simm.s32 @!p0 $0x0  }
0x12: {  	s1 =	sld [smem:$0x3F9C];
	s0 =	simm.s32 @p0 $0x1  }
0x13: {  	[smem:$0x3FB7] =	sst s0;
	s0 =	simm.s32 @!p1 $0x0  }
0x14: {  	s2 =	sld [smem:$0x3F9B];
	s0 =	simm.s32 @p1 $0x1  }
0x15: {  	[smem:$0x3FB8] =	sst s0;
	s0 =	simm.s32 @!p2 $0x0  }
0x16: {  	s3 =	sld [smem:$0x3FDB];
	s0 =	simm.s32 @p2 $0x1  }
0x17: {  	s4 =	simm.s32 $0x1BF5;
	[smem:$0x3FBA] =	sst s0  }
0x18: {  	s0 =	sld [smem:$0x3F9D];
	_ =	swait.ge [sflag:s4], $0x0  }
0x19: {  	s7 =	sld [smem:$0x3F9E]  }
0x1a: {  	s8 =	sadd.s32 $0xFFFFE003, lr  }
0x1b: {  	s9 =	sadd.s32 $0xFFFFFEF7, lr;
	s5 =	simm.s32 $0xFFFFFFFF;
	p2 =	slt.u32 s8, $0xFFFFF086  }
0x1c: {  	p1 =	slt.u32 s9, $0xF7A;
	s5 =	simm.s32 @!p2 $0x0  }
0x1d: {  	s5 =	simm.s32 @p1 $0x1;
	p0 =	seq.s32 s7, s2  }
0x1e: {  	s7 =	smul.u32 @!p0 $0xF7A, s2;
	p2 =	seq.s32 @!p0 s5, $0x0  }
0x1f: {  	s9 =	smul.u32 $0xF7A, s1;
	s8 =	simm.s32 @!p0 $0x1BF5;
	p2 =	por !p2, p0  }
0x20: {  	[sflag:s8] =	ssyncset.s32 @!p0 $0xFFFFF086;
	s6 =	sadd.s32 @!p0 s3, s7;
	s7 =	simm.s32 @!p0 $0x108  }
0x21: {  	s3 =	sadd.s32 s3, s9;
	s6 =	sadd.s32 @!p0 $0x88, s6;
	s7 =	simm.s32 @p2 $0x1082  }
0x22: {  	[simem:s7], [sflag:s8] =	dma.local @!p0 [hbm:s6], $0xF7A  }
0x23: {  	s9 =	sor.u32 $0xD0000000, s2;
	s6 =	simm.s32 $0x108;
	_ =	swait.ge @!p0 [sflag:s8], $0x0  }
0x24: {  	s3 =	sadd.s32 $0x88, s3;
	s6 =	simm.s32 @!p1 $0x1082;
	[sflag:s4] =	ssyncset.s32 $0xFFFFF086  }
0x25: {  	[simem:s6], [sflag:s4] =	dma.local [hbm:s3], $0xF7A  }
0x26: {  	[smem:$0x3F9E] =	sst s1;
	(tag) =	ssettag s2;
	_ =	strace s9  }
0x27: {  	s1 =	sld [smem:$0x3FAE]  }
0x28: {  	s2 =	sld [smem:$0x3FAF]  }
0x29: {  	s4 =	sld [smem:$0x3FB1]  }
0x2a: {  	p0 =	seq.s32 s5, $0x0;
	s5 =	sld [smem:$0x3FB2]  }
0x2b: {  	s6 =	sld [smem:$0x3FB3]  }
0x2c: {  	s7 =	sld [smem:$0x3FB4]  }
0x2d: {  	s3 =	simm.s32 $0x108;
	s8 =	sld [smem:$0x3FB5]  }
0x2e: {  	s3 =	simm.s32 @!p0 $0x1082;
	s9 =	sld [smem:$0x3FB6]  }
0x2f: {  	lr =	sadd.s32 s0, s3;
	s0 =	sld [smem:$0x3FAD]  }
0x30: {  	s3 =	sld [smem:$0x3FB0]  }
0x31: {  	[smem:$0x3FB9] =	sst s10  }
0x32: {  	s10 =	sld [smem:$0x3FB7];
	_ =	sdelay $0x3  }
0x33: {  	p0 =	seq.s32 s10, $0x1;
	s10 =	sld [smem:$0x3FB9];
	_ =	sdelay $0x3  }
0x34: {  	[smem:$0x3FB9] =	sst s10  }
0x35: {  	s10 =	sld [smem:$0x3FB8];
	_ =	sdelay $0x3  }
0x36: {  	p1 =	seq.s32 s10, $0x1;
	s10 =	sld [smem:$0x3FB9];
	_ =	sdelay $0x3  }
0x37: {  	[smem:$0x3FB9] =	sst s10  }
0x38: {  	s10 =	sld [smem:$0x3FBA]  }
0x39: {  	_ = 	snop;
	(pc) =	sbr.ind lr, $3  }
0x3a: {  	_ = 	snop  }
0x3b: {  	_ = 	snop  }
0x3c: {  	p2 =	seq.s32 s10, $0x1;
	s10 =	sld [smem:$0x3FB9]  }
0x3d: {  	_ =	shalt  }
0x3e: {  	_ =	shalt  }
0x3f: {  	_ =	shalt  }
0x40: {  	_ =	shalt  }
0x41: {  	_ =	shalt  }
0x42: {  	_ =	shalt  }
0x43: {  	_ =	shalt  }
0x44: {  	_ =	shalt  }
0x45: {  	_ =	shalt  }
0x46: {  	_ =	shalt  }
0x47: {  	_ =	shalt  }
0x48: {  	_ =	shalt  }
0x49: {  	_ =	shalt  }
0x4a: {  	_ =	shalt  }
0x4b: {  	_ =	shalt  }
0x4c: {  	_ =	shalt  }
0x4d: {  	_ =	shalt  }
0x4e: {  	_ =	shalt  }
0x4f: {  	_ =	shalt  }
0x50: {  	_ =	shalt  }
0x51: {  	_ =	shalt  }
0x52: {  	_ =	shalt  }
0x53: {  	_ =	shalt  }
0x54: {  	_ =	shalt  }
0x55: {  	_ =	shalt  }
0x56: {  	_ =	shalt  }
0x57: {  	_ =	shalt  }
0x58: {  	_ =	shalt  }
0x59: {  	_ =	shalt  }
0x5a: {  	_ =	shalt  }
0x5b: {  	_ =	shalt  }
0x5c: {  	_ =	shalt  }
0x5d: {  	_ =	shalt  }
0x5e: {  	_ =	shalt  }
0x5f: {  	_ =	shalt  }
0x60: {  	_ =	shalt  }
0x61: {  	_ =	shalt  }
0x62: {  	_ =	shalt  }
0x63: {  	_ =	shalt  }
0x64: {  	_ =	shalt  }
0x65: {  	_ =	shalt  }
0x66: {  	_ =	shalt  }
0x67: {  	_ =	shalt  }
0x68: {  	_ =	shalt  }
0x69: {  	_ =	shalt  }
0x6a: {  	_ =	shalt  }
0x6b: {  	_ =	shalt  }
0x6c: {  	_ =	shalt  }
0x6d: {  	_ =	shalt  }
0x6e: {  	_ =	shalt  }
0x6f: {  	_ =	shalt  }
0x70: {  	_ =	shalt  }
0x71: {  	_ =	shalt  }
0x72: {  	_ =	shalt  }
0x73: {  	_ =	shalt  }
0x74: {  	_ =	shalt  }
0x75: {  	_ =	shalt  }
0x76: {  	_ =	shalt  }
0x77: {  	_ =	shalt  }
0x78: {  	_ =	shalt  }
0x79: {  	_ =	shalt  }
0x7a: {  	_ =	shalt  }
0x7b: {  	_ =	shalt  }
0x7c: {  	_ =	shalt  }
0x7d: {  	_ =	shalt  }
0x7e: {  	_ =	shalt  }
0x7f: {  	_ =	shalt  }
0x80: {  	_ =	shalt  }
0x81: {  	_ =	shalt  }
0x82: {  	_ =	shalt  }
0x83: {  	_ =	shalt  }
0x84: {  	_ =	shalt  }
0x85: {  	_ =	shalt  }
0x86: {  	_ =	shalt  }
0x87: {  	_ =	shalt  }
.Lfunc_end0:
.L_simem_size_0:
called_computation.1_lowered:
.L_overlay_start_0:
0x88: {  	s2 =	sld [smem:$0x3FD9]  }
0x89: {  	s3 =	sld [smem:$0x3FFE];
	_ =	sdelay $0x1  }
0x8a: {  	s1 =	srdreg.scid  }
0x8b: {  	s0 =	sand.u32 $0x1, s1  }
0x8c: {  	s17 =	sshll.u32 s0, $0xA;
	s2 =	sadd.s32 s3, s2  }
0x8d: {  	s2 =	sadd.s32 s2, s17  }
0x8e: {  	[smem:$0x3FC5] =	sst s2  }
0x8f: {  	_ = 	snop  }
0x90: {  	s2 =	sld [smem:$0x3FD0];
	(tm) =	ssettm $0x1  }
0x91: {  	s18 =	sld [smem:$0x3FFB];
	_ =	sdelay $0x3  }
0x92: {  	_ =	strace s18  }
0x93: {  	s3 =	sld [smem:$0x3FFC];
	_ =	sdelay $0x3  }
0x94: {  	_ =	strace s3  }
0x95: {  	s3 =	sld [smem:$0x3FFD];
	_ =	sdelay $0x3  }
0x96: {  	_ =	strace s3  }
0x97: {  	_ =	strace $0x8FFFFFFF  }
0x98: {  	s19 =	sld [smem:$0x3FDB];
	_ =	sdelay $0x1  }
0x99: {  	s4 =	simm.s32 $_scs_section_size  }
0x9a: {  	s5 =	simm.s32 $_size__tile_overlayer_lowered;
	s6 =	simm.s32 $_tile_overlayer_lowered  }
0x9b: {  	s22 =	simm.s32 $0x1BFF;
	s21 =	sshll.u32 s6, $0x1;
	s3 =	sadd.s32 s4, s19  }
0x9c: {  	s7 =	simm.s32 $0x0;
	s20 =	sshll.u32 s5, $0x1;
	s5 =	sadd.s32 s21, s3  }
0x9d: {  	[timem:s7], [sflag:s22] =	dma.local [hbm:s5], s20  }
0x9e: {  	_ =	swait.ge [sflag:s22], s20  }
0x9f: {  	s4 =	ssub.s32 $0x0, s20;
	[sflag:s22] =	ssyncset.done $0x0  }
0xa0: {  	[sflag:s22] =	ssyncadd.s32 s4;
	_ =	sdelay $0x1  }
0xa1: {  	s23 =	simm.s32 $0x1B8B  }
0xa2: {  	_ =	swait.ge [sflag:s23], $0x1  }
0xa3: {  	[sflag:s23] =	ssyncset.done $0x0  }
0xa4: {  	s25 =	simm.s32 $0x1B8E;
	s24 =	sld [smem:$0x3FFE];
	[sflag:s23] =	ssyncadd.s32 $0xFFFFFFFF  }
0xa5: {  	s26 =	simm.s32 $execute0_lowered;
	[smem:$0x3FD2] =	sst s25  }
0xa6: {  	s5 =	sshll.u32 s26, $0x1;
	_ =	strace $0x80000049;
	[dreg:$0x1] =	wrdreg $0xFFFFFFFF  }
0xa7: {  	s28 =	simm.s32 $_size_execute0_lowered;
	s3 =	sadd.s32 s3, s5;
	[dreg:$0x0] =	wrdreg $0x0  }
0xa8: {  	s5 =	sshll.u32 s28, $0x1;
	[dreg:$0x2] =	wrdreg s3  }
0xa9: {  	[dreg:$0x3] =	wrdreg s5  }
0xaa: {  	[dreg:$0x4] =	wrdreg $0xC0  }
0xab: {  	_ =	task [dreg:s7], $0x5FFFF  }
0xac: {  	[dreg:$0x1] =	wrdreg $0xFFFFFFFF  }
0xad: {  	[dreg:$0x0] =	wrdreg $0x60  }
0xae: {  	[dreg:$0x2] =	wrdreg s24  }
0xaf: {  	[dreg:$0x3] =	wrdreg s2  }
0xb0: {  	[dreg:$0x4] =	wrdreg $0x90000  }
0xb1: {  	[dreg:$0x5] =	wrdreg $0x9  }
0xb2: {  	_ =	task.clear_ibuf [dreg:s7], $0x6FFFF;
	_ =	strace $0x90000049  }
0xb3: {  	s29 =	simm.s32 $0x9;
	_ =	strace $0x8000004B  }
0xb4: {  	_ =	swait.ge [sflag:s29], $0x1  }
0xb5: {  	[sflag:s29] =	ssyncadd.s32 $0xFFFFFFFF  }
0xb6: {  	_ =	strace $0x9000004B  }
0xb7: {  	_ =	sfence  }
0xb8: {  	s30 =	sld [smem:$0x0];
	_ =	sdelay $0x2  }
0xb9: {  	s31 =	sshll.u32 s1, $0xD;
	s1 =	sshrl.u32 s1, $0x2  }
0xba: {  	s3 =	sand.u32 $0x4000, s31;
	s1 =	sadd.s32 s1, s30  }
0xbb: {  	s0 =	sor.u32 s3, s0;
	s1 =	sshll.u32 s1, $0x11  }
0xbc: {  	s0 =	sor.u32 s1, s0  }
0xbd: {  	s0 =	sadd.s32 $0x8F2B, s0  }
0xbe: {  	[sflag:s0] =	ssyncadd.remote.s32 $0x1  }
0xbf: {  	_ =	sfence.sel $0xFFFF  }
0xc0: {  	[dreg:$0x0] =	wrdreg $0xFFFFFFFF;
	(pc) =	sbr.abs _section_cstart, $3  }
0xc1: {  	[dreg:$0x1] =	wrdreg $0xFFFFFFFF  }
0xc2: {  	_ =	task.clear_ibuf [dreg:s7], $0x2FFFF;
	_ =	strace $0x9FFFFFFF  }
0xc3: {  	(tm) =	ssettm $0x7FFFFFFF  }
tec
execute0_lowered:
.L_overlay_start_1:
0x0: {  	(tag) =	ssettag $0x1  }
0x1: {  	s5 =	rddreg [dreg:$0x0];
	s1 =	srdreg.scid  }
0x2: {  	s0 =	stileid.u32;
	s8 =	rddreg [dreg:$0x1]  }
0x3: {  	s2 =	rddreg [dreg:$0x2];
	s3 =	simm.s32 $0x0;
	s15 =	simm.s32 $0x5000  }
0x4: {  	s16 =	simm.s32 $0x1;
	s17 =	simm.s32 $0x0;
	s6 =	sand.u32 $0x1, s1  }
0x5: {  	s28 =	sshll.u32 s0, $0x1;
	s1 =	rddreg [dreg:$0x3];
	s7 =	smul.u32 $0x2800, s0  }
0x6: {  	[smem:$0x7FF] =	sst s3;
	s12 =	smul.u32 $0x50000, s0;
	s31 =	sshll.u32 s0, $0x6  }
0x7: {  	s4 =	sor.u32 s6, s28;
	_ =	strace $0x8000004A;
	s10 =	smul.u32 $0x28000, s6  }
0x8: {  	s6 =	ssub.s32 $0x2, s6;
	s9 =	smul.u32 $0x500, s4;
	s4 =	sadd.s32 $0xBC00, s5  }
0x9: {  	s13 =	sadd.s32 s7, s5;
	s29 =	sshrl.u32 s6, $0x1;
	s30 =	sshrl.u32 s12, $0x2  }
0xa: {  	s7 =	sadd.s32 s7, s10;
	s10 =	ssub.s32 s6, s29;
	s12 =	sadd.s32 s30, s2  }
0xb: {  	s6 =	sor.u32 $0x1C02, s31;
	s11 =	sadd.s32 s9, s5;
	s14 =	sadd.s32 s7, s5  }
0xc: {  	s5 =	sadd.s32 $0x33C00, s13;
	s8 =	sadd.s32 s8, s9;
	s10 =	smax.u32 s10, $0x1  }
0xd: {  	s13 =	simm.s32 $0x2800;
	s7 =	sadd.s32 $0x1C00, s11;
	s9 =	sadd.s32 $0x5BC00, s14  }
0xe: {  	s11 =	sshrl.u32 s12, $0x3;
	s12 =	simm.s32 $0x2;
	s14 =	simm.s32 $0x80  }
.LBB2_1:
0xf: {  	[spmem:s11], [sflag:s6] =	dma.local [hbm:s5], $0x2800  }
0x10: {  	_ =	swait.ge [sflag:s12], $0x2800  }
0x11: {  	[sflag:s12] =	ssyncset.done $0x0  }
0x12: {  	[sflag:s12] =	ssyncadd.s32 $0xFFFFD800  }
0x13: {  	[tilespmem:s3], [sflag:$0x2] =	stream.linear.gather [hbm4b:s7+s3], $0x2800, $0x38;
	[tilespmem:$0x1D000] =	vst v63  }
0x14: {  	_ =	swait.ge [sflag:s12], $0x2800  }
0x15: {  	[sflag:s12] =	ssyncset.done $0x0  }
0x16: {  	[sflag:s12] =	ssyncadd.s32 $0xFFFFD800  }
0x17: {  	[tilespmem:s13], [sflag:$0x2] =	stream.linear.gather [hbm4b:s8+s3], $0x2800, $0x38;
	[tilespmem:$0x1D000] =	vst v63  }
0x18: {  	_ =	swait.ge [sflag:s12], $0x2800  }
0x19: {  	[sflag:s12] =	ssyncset.done $0x0  }
0x1a: {  	[sflag:s12] =	ssyncadd.s32 $0xFFFFD800  }
0x1b: {  	s18 =	simm.s32 $0x0;
	[bflag:$0x0] =	sbarrier.arrive $0xFFFF  }
0x1c: {  	[tilespmem:s15], [sflag:$0x1] =	stream.indirect.gather [hbm4b:s4+s14], $0x80, s18, s14, $0xb8;
	[tilespmem:$0x1D000] =	vst v63  }
0x1d: {  	_ =	swait.ge [sflag:s16], $0x4000  }
0x1e: {  	[sflag:s16] =	ssyncset.done $0x0  }
0x1f: {  	s31 =	simm.s32 $0x2800;
	[sflag:s16] =	ssyncadd.s32 $0xFFFFC000  }
0x20: {  	[spmem:s2] =	stream.indirect.scatter.add.f32 [tilespmem:s15], [sflag:$0x2], $0x80, s31, s14, $0xb8;
	[tilespmem:$0x1D000] =	vst v63  }
0x21: {  	_ =	swait.ge [sflag:s12], $0x4000  }
0x22: {  	s19 =	simm.s32 $0x400;
	s18 =	simm.s32 $0x200;
	[sflag:s12] =	ssyncset.done $0x0  }
.LBB2_2:
0x23: {  	s20 =	sshra.s32 s18, $0x2  }
0x24: {  	[sflag:s12] =	ssyncadd.s32 $0xFFFFC000;
	s18 =	smov.u32 s19;
	s21 =	sadd.s32 $0x200, s19  }
0x25: {  	[tilespmem:s15], [sflag:$0x1] =	stream.indirect.gather [hbm4b:s4+s14], $0x80, s20, s14, $0xb8;
	[tilespmem:$0x1D000] =	vst v63  }
0x26: {  	p0 =	sne.s32 s19, $0x9E00;
	_ =	swait.ge [sflag:s16], $0x4000  }
.Ltmp0:
0x27: {  	[sflag:s16] =	ssyncset.done $0x0;
	(pc) =	sbr.rel @p0 .LBB2_2-.Ltmp0, $4  }
0x28: {  	s19 =	sadd.s32 $0x2800, s20;
	[sflag:s16] =	ssyncadd.s32 $0xFFFFC000  }
0x29: {  	[spmem:s2] =	stream.indirect.scatter.add.f32 [tilespmem:s15], [sflag:$0x2], $0x80, s19, s14, $0xb8;
	[tilespmem:$0x1D000] =	vst v63  }
0x2a: {  	_ =	swait.ge [sflag:s12], $0x4000  }
0x2b: {  	s19 =	smov.u32 s21;
	[sflag:s12] =	ssyncset.done $0x0  }
0x2c: {  	s18 =	sshra.s32 s18, $0x2;
	[sflag:s12] =	ssyncadd.s32 $0xFFFFC000  }
0x2d: {  	[tilespmem:s15], [sflag:$0x1] =	stream.indirect.gather [hbm4b:s4+s14], $0x80, s18, s14, $0xb8;
	[tilespmem:$0x1D000] =	vst v63  }
0x2e: {  	_ =	swait.ge [sflag:s16], $0x4000  }
0x2f: {  	[sflag:s16] =	ssyncset.done $0x0  }
0x30: {  	s18 =	sadd.s32 $0x2800, s18;
	[sflag:s16] =	ssyncadd.s32 $0xFFFFC000  }
0x31: {  	[spmem:s2] =	stream.indirect.scatter.add.f32 [tilespmem:s15], [sflag:$0x2], $0x80, s18, s14, $0xb8;
	[tilespmem:$0x1D000] =	vst v63  }
0x32: {  	_ =	swait.ge [sflag:s12], $0x4000  }
0x33: {  	s17 =	sadd.s32 $0x1, s17;
	[sflag:s12] =	ssyncset.done $0x0  }
0x34: {  	p0 =	sne.s32 s17, s10;
	[sflag:s12] =	ssyncadd.s32 $0xFFFFC000  }
.Ltmp1:
0x35: {  	[bflag:$0x0] =	sbarrier.arrive $0xFFFF;
	(pc) =	sbr.rel @p0 .LBB2_1-.Ltmp1, $4  }
0x36: {  	[hbm:s9], [sflag:s6] =	dma.local [spmem:s11], $0x2800  }
0x37: {  	_ =	swait.ge [sflag:s12], $0x2800  }
0x38: {  	[sflag:s12] =	ssyncset.done $0x0  }
0x39: {  	[sflag:s12] =	ssyncadd.s32 $0xFFFFD800  }
0x3a: {  	_ =	sfence.sel $0x180000  }
0x3b: {  	[bflag:$0x0] =	sbarrier.arrive $0xFFFF  }
0x3c: {  	p0 =	sne.s32 s0, $0x0;
	_ =	strace $0x9000004A  }
0x3d: {  	s0 =	sadd.s32 @!p0 $0x100000, s1;
	[bflag:$0x2] =	sbarrier.arrive $0xFFFF  }
0x3e: {  	[sflag:s0] =	ssyncadd.tile.s32 @!p0 $0x1;
	_ =	shalt  }
.Lfunc_end2:
_tile_overlayer_lowered:
.L_overlay_start_2:
0x3f: {  	(tag) =	ssettag $0x2  }
0x40: {  	s0 =	rddreg [dreg:$0x0];
	s2 =	stileid.u32  }
0x41: {  	s1 =	rddreg [dreg:$0x1];
	p0 =	sne.s32 s2, $0x0  }
0x42: {  	s3 =	rddreg [dreg:$0x2];
	[bflag:$0x3] =	sbarrier.arrive $0xFFFF;
	s2 =	simm.s32 @!p0 $0x1C02  }
0x43: {  	[timem:s3], [sflag:s2] =	dma.local @!p0 [hbm:s0], s1  }
0x44: {  	s0 =	simm.s32 @!p0 $0x2  }
0x45: {  	_ =	swait.ge @!p0 [sflag:s0], s1  }
0x46: {  	s1 =	ssub.s32 @!p0 $0x0, s1;
	[sflag:s0] =	ssyncset.done @!p0 $0x0  }
0x47: {  	[sflag:s0] =	ssyncadd.s32 @!p0 s1  }
0x48: {  	[bflag:$0x3] =	sbarrier.arrive $0xFFFF  }
0x49: {  	_ =	shalt  }

// kernel: kernel.14.cloned.1.call-start
scs
__scs_entry_jumppad:
0x0: {  	(pc) =	sbr.rel $0x88, $3  }
0x1: {  	(tag) =	ssettag $0x0;
	lr =	simm.s32 $0x1  }
0x2: {  	[smem:$0x3F9E] =	sst lr;
	_ =	strace $0xD0000000  }
0x3: {  	_ = 	snop  }
0x4: {  	_ = 	snop  }
0x5: {  	_ = 	snop  }
0x6: {  	_ = 	snop  }
0x7: {  	_ = 	snop  }
__scs_overlays_trampoline_lowered:
0x8: {  	[smem:$0x3FAD] =	sst s0  }
0x9: {  	[smem:$0x3FAE] =	sst s1  }
0xa: {  	[smem:$0x3FAF] =	sst s2  }
0xb: {  	[smem:$0x3FB0] =	sst s3  }
0xc: {  	[smem:$0x3FB1] =	sst s4  }
0xd: {  	[smem:$0x3FB2] =	sst s5  }
0xe: {  	[smem:$0x3FB3] =	sst s6  }
0xf: {  	[smem:$0x3FB4] =	sst s7  }
0x10: {  	[smem:$0x3FB5] =	sst s8  }
0x11: {  	[smem:$0x3FB6] =	sst s9;
	s0 =	simm.s32 @!p0 $0x0  }
0x12: {  	s1 =	sld [smem:$0x3F9C];
	s0 =	simm.s32 @p0 $0x1  }
0x13: {  	[smem:$0x3FB7] =	sst s0;
	s0 =	simm.s32 @!p1 $0x0  }
0x14: {  	s2 =	sld [smem:$0x3F9B];
	s0 =	simm.s32 @p1 $0x1  }
0x15: {  	[smem:$0x3FB8] =	sst s0;
	s0 =	simm.s32 @!p2 $0x0  }
0x16: {  	s3 =	sld [smem:$0x3FDB];
	s0 =	simm.s32 @p2 $0x1  }
0x17: {  	s4 =	simm.s32 $0x1BF5;
	[smem:$0x3FBA] =	sst s0  }
0x18: {  	s0 =	sld [smem:$0x3F9D];
	_ =	swait.ge [sflag:s4], $0x0  }
0x19: {  	s7 =	sld [smem:$0x3F9E]  }
0x1a: {  	s8 =	sadd.s32 $0xFFFFE003, lr  }
0x1b: {  	s9 =	sadd.s32 $0xFFFFFEF7, lr;
	s5 =	simm.s32 $0xFFFFFFFF;
	p2 =	slt.u32 s8, $0xFFFFF086  }
0x1c: {  	p1 =	slt.u32 s9, $0xF7A;
	s5 =	simm.s32 @!p2 $0x0  }
0x1d: {  	s5 =	simm.s32 @p1 $0x1;
	p0 =	seq.s32 s7, s2  }
0x1e: {  	s7 =	smul.u32 @!p0 $0xF7A, s2;
	p2 =	seq.s32 @!p0 s5, $0x0  }
0x1f: {  	s9 =	smul.u32 $0xF7A, s1;
	s8 =	simm.s32 @!p0 $0x1BF5;
	p2 =	por !p2, p0  }
0x20: {  	[sflag:s8] =	ssyncset.s32 @!p0 $0xFFFFF086;
	s6 =	sadd.s32 @!p0 s3, s7;
	s7 =	simm.s32 @!p0 $0x108  }
0x21: {  	s3 =	sadd.s32 s3, s9;
	s6 =	sadd.s32 @!p0 $0x88, s6;
	s7 =	simm.s32 @p2 $0x1082  }
0x22: {  	[simem:s7], [sflag:s8] =	dma.local @!p0 [hbm:s6], $0xF7A  }
0x23: {  	s9 =	sor.u32 $0xD0000000, s2;
	s6 =	simm.s32 $0x108;
	_ =	swait.ge @!p0 [sflag:s8], $0x0  }
0x24: {  	s3 =	sadd.s32 $0x88, s3;
	s6 =	simm.s32 @!p1 $0x1082;
	[sflag:s4] =	ssyncset.s32 $0xFFFFF086  }
0x25: {  	[simem:s6], [sflag:s4] =	dma.local [hbm:s3], $0xF7A  }
0x26: {  	[smem:$0x3F9E] =	sst s1;
	(tag) =	ssettag s2;
	_ =	strace s9  }
0x27: {  	s1 =	sld [smem:$0x3FAE]  }
0x28: {  	s2 =	sld [smem:$0x3FAF]  }
0x29: {  	s4 =	sld [smem:$0x3FB1]  }
0x2a: {  	p0 =	seq.s32 s5, $0x0;
	s5 =	sld [smem:$0x3FB2]  }
0x2b: {  	s6 =	sld [smem:$0x3FB3]  }
0x2c: {  	s7 =	sld [smem:$0x3FB4]  }
0x2d: {  	s3 =	simm.s32 $0x108;
	s8 =	sld [smem:$0x3FB5]  }
0x2e: {  	s3 =	simm.s32 @!p0 $0x1082;
	s9 =	sld [smem:$0x3FB6]  }
0x2f: {  	lr =	sadd.s32 s0, s3;
	s0 =	sld [smem:$0x3FAD]  }
0x30: {  	s3 =	sld [smem:$0x3FB0]  }
0x31: {  	[smem:$0x3FB9] =	sst s10  }
0x32: {  	s10 =	sld [smem:$0x3FB7];
	_ =	sdelay $0x3  }
0x33: {  	p0 =	seq.s32 s10, $0x1;
	s10 =	sld [smem:$0x3FB9];
	_ =	sdelay $0x3  }
0x34: {  	[smem:$0x3FB9] =	sst s10  }
0x35: {  	s10 =	sld [smem:$0x3FB8];
	_ =	sdelay $0x3  }
0x36: {  	p1 =	seq.s32 s10, $0x1;
	s10 =	sld [smem:$0x3FB9];
	_ =	sdelay $0x3  }
0x37: {  	[smem:$0x3FB9] =	sst s10  }
0x38: {  	s10 =	sld [smem:$0x3FBA]  }
0x39: {  	_ = 	snop;
	(pc) =	sbr.ind lr, $3  }
0x3a: {  	_ = 	snop  }
0x3b: {  	_ = 	snop  }
0x3c: {  	p2 =	seq.s32 s10, $0x1;
	s10 =	sld [smem:$0x3FB9]  }
0x3d: {  	_ =	shalt  }
0x3e: {  	_ =	shalt  }
0x3f: {  	_ =	shalt  }
0x40: {  	_ =	shalt  }
0x41: {  	_ =	shalt  }
0x42: {  	_ =	shalt  }
0x43: {  	_ =	shalt  }
0x44: {  	_ =	shalt  }
0x45: {  	_ =	shalt  }
0x46: {  	_ =	shalt  }
0x47: {  	_ =	shalt  }
0x48: {  	_ =	shalt  }
0x49: {  	_ =	shalt  }
0x4a: {  	_ =	shalt  }
0x4b: {  	_ =	shalt  }
0x4c: {  	_ =	shalt  }
0x4d: {  	_ =	shalt  }
0x4e: {  	_ =	shalt  }
0x4f: {  	_ =	shalt  }
0x50: {  	_ =	shalt  }
0x51: {  	_ =	shalt  }
0x52: {  	_ =	shalt  }
0x53: {  	_ =	shalt  }
0x54: {  	_ =	shalt  }
0x55: {  	_ =	shalt  }
0x56: {  	_ =	shalt  }
0x57: {  	_ =	shalt  }
0x58: {  	_ =	shalt  }
0x59: {  	_ =	shalt  }
0x5a: {  	_ =	shalt  }
0x5b: {  	_ =	shalt  }
0x5c: {  	_ =	shalt  }
0x5d: {  	_ =	shalt  }
0x5e: {  	_ =	shalt  }
0x5f: {  	_ =	shalt  }
0x60: {  	_ =	shalt  }
0x61: {  	_ =	shalt  }
0x62: {  	_ =	shalt  }
0x63: {  	_ =	shalt  }
0x64: {  	_ =	shalt  }
0x65: {  	_ =	shalt  }
0x66: {  	_ =	shalt  }
0x67: {  	_ =	shalt  }
0x68: {  	_ =	shalt  }
0x69: {  	_ =	shalt  }
0x6a: {  	_ =	shalt  }
0x6b: {  	_ =	shalt  }
0x6c: {  	_ =	shalt  }
0x6d: {  	_ =	shalt  }
0x6e: {  	_ =	shalt  }
0x6f: {  	_ =	shalt  }
0x70: {  	_ =	shalt  }
0x71: {  	_ =	shalt  }
0x72: {  	_ =	shalt  }
0x73: {  	_ =	shalt  }
0x74: {  	_ =	shalt  }
0x75: {  	_ =	shalt  }
0x76: {  	_ =	shalt  }
0x77: {  	_ =	shalt  }
0x78: {  	_ =	shalt  }
0x79: {  	_ =	shalt  }
0x7a: {  	_ =	shalt  }
0x7b: {  	_ =	shalt  }
0x7c: {  	_ =	shalt  }
0x7d: {  	_ =	shalt  }
0x7e: {  	_ =	shalt  }
0x7f: {  	_ =	shalt  }
0x80: {  	_ =	shalt  }
0x81: {  	_ =	shalt  }
0x82: {  	_ =	shalt  }
0x83: {  	_ =	shalt  }
0x84: {  	_ =	shalt  }
0x85: {  	_ =	shalt  }
0x86: {  	_ =	shalt  }
0x87: {  	_ =	shalt  }
.Lfunc_end0:
.L_simem_size_0:
called_computation.2_lowered:
.L_overlay_start_0:
0x88: {  	s2 =	sld [smem:$0x3FD9]  }
0x89: {  	s3 =	sld [smem:$0x3FFE];
	_ =	sdelay $0x1  }
0x8a: {  	s1 =	srdreg.scid  }
0x8b: {  	s0 =	sand.u32 $0x1, s1  }
0x8c: {  	s17 =	sshll.u32 s0, $0xA;
	s2 =	sadd.s32 s3, s2  }
0x8d: {  	s2 =	sadd.s32 s2, s17  }
0x8e: {  	[smem:$0x3FC5] =	sst s2  }
0x8f: {  	_ = 	snop  }
0x90: {  	s2 =	sld [smem:$0x3FD0];
	(tm) =	ssettm $0x1  }
0x91: {  	s18 =	sld [smem:$0x3FFB];
	_ =	sdelay $0x3  }
0x92: {  	_ =	strace s18  }
0x93: {  	s3 =	sld [smem:$0x3FFC];
	_ =	sdelay $0x3  }
0x94: {  	_ =	strace s3  }
0x95: {  	s3 =	sld [smem:$0x3FFD];
	_ =	sdelay $0x3  }
0x96: {  	_ =	strace s3  }
0x97: {  	_ =	strace $0x8FFFFFFF  }
0x98: {  	s19 =	sld [smem:$0x3FDB];
	_ =	sdelay $0x1  }
0x99: {  	s4 =	simm.s32 $_scs_section_size  }
0x9a: {  	s5 =	simm.s32 $_size__tile_overlayer_lowered;
	s6 =	simm.s32 $_tile_overlayer_lowered  }
0x9b: {  	s22 =	simm.s32 $0x1BFF;
	s21 =	sshll.u32 s6, $0x1;
	s3 =	sadd.s32 s4, s19  }
0x9c: {  	s7 =	simm.s32 $0x0;
	s20 =	sshll.u32 s5, $0x1;
	s5 =	sadd.s32 s21, s3  }
0x9d: {  	[timem:s7], [sflag:s22] =	dma.local [hbm:s5], s20  }
0x9e: {  	_ =	swait.ge [sflag:s22], s20  }
0x9f: {  	s4 =	ssub.s32 $0x0, s20;
	[sflag:s22] =	ssyncset.done $0x0  }
0xa0: {  	[sflag:s22] =	ssyncadd.s32 s4;
	_ =	sdelay $0x1  }
0xa1: {  	s23 =	simm.s32 $0x1B8B  }
0xa2: {  	_ =	swait.ge [sflag:s23], $0x1  }
0xa3: {  	[sflag:s23] =	ssyncset.done $0x0  }
0xa4: {  	s25 =	simm.s32 $0x1B8E;
	s24 =	sld [smem:$0x3FFE];
	[sflag:s23] =	ssyncadd.s32 $0xFFFFFFFF  }
0xa5: {  	s26 =	simm.s32 $execute0_lowered;
	[smem:$0x3FD2] =	sst s25  }
0xa6: {  	s5 =	sshll.u32 s26, $0x1;
	_ =	strace $0x8000004C;
	[dreg:$0x1] =	wrdreg $0xFFFFFFFF  }
0xa7: {  	s28 =	simm.s32 $_size_execute0_lowered;
	s3 =	sadd.s32 s3, s5;
	[dreg:$0x0] =	wrdreg $0x0  }
0xa8: {  	s5 =	sshll.u32 s28, $0x1;
	[dreg:$0x2] =	wrdreg s3  }
0xa9: {  	[dreg:$0x3] =	wrdreg s5  }
0xaa: {  	[dreg:$0x4] =	wrdreg $0xC0  }
0xab: {  	_ =	task [dreg:s7], $0x5FFFF  }
0xac: {  	[dreg:$0x1] =	wrdreg $0xFFFFFFFF  }
0xad: {  	[dreg:$0x0] =	wrdreg $0x60  }
0xae: {  	[dreg:$0x2] =	wrdreg s24  }
0xaf: {  	[dreg:$0x3] =	wrdreg s2  }
0xb0: {  	[dreg:$0x4] =	wrdreg $0x90000  }
0xb1: {  	[dreg:$0x5] =	wrdreg $0x9  }
0xb2: {  	_ =	task.clear_ibuf [dreg:s7], $0x6FFFF;
	_ =	strace $0x9000004C  }
0xb3: {  	s29 =	simm.s32 $0x9;
	_ =	strace $0x8000004E  }
0xb4: {  	_ =	swait.ge [sflag:s29], $0x1  }
0xb5: {  	[sflag:s29] =	ssyncadd.s32 $0xFFFFFFFF  }
0xb6: {  	_ =	strace $0x9000004E  }
0xb7: {  	_ =	sfence  }
0xb8: {  	s30 =	sld [smem:$0x0];
	_ =	sdelay $0x2  }
0xb9: {  	s31 =	sshll.u32 s1, $0xD;
	s1 =	sshrl.u32 s1, $0x2  }
0xba: {  	s3 =	sand.u32 $0x4000, s31;
	s1 =	sadd.s32 s1, s30  }
0xbb: {  	s0 =	sor.u32 s3, s0;
	s1 =	sshll.u32 s1, $0x11  }
0xbc: {  	s0 =	sor.u32 s1, s0  }
0xbd: {  	s0 =	sadd.s32 $0x8F2B, s0  }
0xbe: {  	[sflag:s0] =	ssyncadd.remote.s32 $0x1  }
0xbf: {  	_ =	sfence.sel $0xFFFF  }
0xc0: {  	[dreg:$0x0] =	wrdreg $0xFFFFFFFF;
	(pc) =	sbr.abs _section_cstart, $3  }
0xc1: {  	[dreg:$0x1] =	wrdreg $0xFFFFFFFF  }
0xc2: {  	_ =	task.clear_ibuf [dreg:s7], $0x2FFFF;
	_ =	strace $0x9FFFFFFF  }
0xc3: {  	(tm) =	ssettm $0x7FFFFFFF  }
tec
execute0_lowered:
.L_overlay_start_1:
0x0: {  	(tag) =	ssettag $0x1  }
0x1: {  	s5 =	rddreg [dreg:$0x0];
	s1 =	srdreg.scid  }
0x2: {  	s0 =	stileid.u32;
	s8 =	rddreg [dreg:$0x1]  }
0x3: {  	s2 =	rddreg [dreg:$0x2];
	s3 =	simm.s32 $0x0;
	s15 =	simm.s32 $0x5000  }
0x4: {  	s16 =	simm.s32 $0x1;
	s17 =	simm.s32 $0x0;
	s6 =	sand.u32 $0x1, s1  }
0x5: {  	s28 =	sshll.u32 s0, $0x1;
	s1 =	rddreg [dreg:$0x3];
	s7 =	smul.u32 $0x2800, s0  }
0x6: {  	[smem:$0x7FF] =	sst s3;
	s12 =	smul.u32 $0x50000, s0;
	s31 =	sshll.u32 s0, $0x6  }
0x7: {  	s4 =	sor.u32 s6, s28;
	_ =	strace $0x8000004D;
	s10 =	smul.u32 $0x28000, s6  }
0x8: {  	s6 =	ssub.s32 $0x2, s6;
	s9 =	smul.u32 $0x500, s4;
	s4 =	sadd.s32 $0xBC00, s5  }
0x9: {  	s13 =	sadd.s32 s7, s5;
	s29 =	sshrl.u32 s6, $0x1;
	s30 =	sshrl.u32 s12, $0x2  }
0xa: {  	s7 =	sadd.s32 s7, s10;
	s10 =	ssub.s32 s6, s29;
	s12 =	sadd.s32 s30, s2  }
0xb: {  	s6 =	sor.u32 $0x1C02, s31;
	s11 =	sadd.s32 s9, s5;
	s14 =	sadd.s32 s7, s5  }
0xc: {  	s5 =	sadd.s32 $0x33C00, s13;
	s8 =	sadd.s32 s8, s9;
	s10 =	smax.u32 s10, $0x1  }
0xd: {  	s13 =	simm.s32 $0x2800;
	s7 =	sadd.s32 $0x1C00, s11;
	s9 =	sadd.s32 $0x5BC00, s14  }
0xe: {  	s11 =	sshrl.u32 s12, $0x3;
	s12 =	simm.s32 $0x2;
	s14 =	simm.s32 $0x80  }
.LBB2_1:
0xf: {  	[spmem:s11], [sflag:s6] =	dma.local [hbm:s5], $0x2800  }
0x10: {  	_ =	swait.ge [sflag:s12], $0x2800  }
0x11: {  	[sflag:s12] =	ssyncset.done $0x0  }
0x12: {  	[sflag:s12] =	ssyncadd.s32 $0xFFFFD800  }
0x13: {  	[tilespmem:s3], [sflag:$0x2] =	stream.linear.gather [hbm4b:s7+s3], $0x2800, $0x38;
	[tilespmem:$0x1D000] =	vst v63  }
0x14: {  	_ =	swait.ge [sflag:s12], $0x2800  }
0x15: {  	[sflag:s12] =	ssyncset.done $0x0  }
0x16: {  	[sflag:s12] =	ssyncadd.s32 $0xFFFFD800  }
0x17: {  	[tilespmem:s13], [sflag:$0x2] =	stream.linear.gather [hbm4b:s8+s3], $0x2800, $0x38;
	[tilespmem:$0x1D000] =	vst v63  }
0x18: {  	_ =	swait.ge [sflag:s12], $0x2800  }
0x19: {  	[sflag:s12] =	ssyncset.done $0x0  }
0x1a: {  	[sflag:s12] =	ssyncadd.s32 $0xFFFFD800  }
0x1b: {  	s18 =	simm.s32 $0x0;
	[bflag:$0x0] =	sbarrier.arrive $0xFFFF  }
0x1c: {  	[tilespmem:s15], [sflag:$0x1] =	stream.indirect.gather [hbm4b:s4+s14], $0x80, s18, s14, $0xb8;
	[tilespmem:$0x1D000] =	vst v63  }
0x1d: {  	_ =	swait.ge [sflag:s16], $0x4000  }
0x1e: {  	[sflag:s16] =	ssyncset.done $0x0  }
0x1f: {  	s31 =	simm.s32 $0x2800;
	[sflag:s16] =	ssyncadd.s32 $0xFFFFC000  }
0x20: {  	[spmem:s2] =	stream.indirect.scatter.add.f32 [tilespmem:s15], [sflag:$0x2], $0x80, s31, s14, $0xb8;
	[tilespmem:$0x1D000] =	vst v63  }
0x21: {  	_ =	swait.ge [sflag:s12], $0x4000  }
0x22: {  	s19 =	simm.s32 $0x400;
	s18 =	simm.s32 $0x200;
	[sflag:s12] =	ssyncset.done $0x0  }
.LBB2_2:
0x23: {  	s20 =	sshra.s32 s18, $0x2  }
0x24: {  	[sflag:s12] =	ssyncadd.s32 $0xFFFFC000;
	s18 =	smov.u32 s19;
	s21 =	sadd.s32 $0x200, s19  }
0x25: {  	[tilespmem:s15], [sflag:$0x1] =	stream.indirect.gather [hbm4b:s4+s14], $0x80, s20, s14, $0xb8;
	[tilespmem:$0x1D000] =	vst v63  }
0x26: {  	p0 =	sne.s32 s19, $0x9E00;
	_ =	swait.ge [sflag:s16], $0x4000  }
.Ltmp0:
0x27: {  	[sflag:s16] =	ssyncset.done $0x0;
	(pc) =	sbr.rel @p0 .LBB2_2-.Ltmp0, $4  }
0x28: {  	s19 =	sadd.s32 $0x2800, s20;
	[sflag:s16] =	ssyncadd.s32 $0xFFFFC000  }
0x29: {  	[spmem:s2] =	stream.indirect.scatter.add.f32 [tilespmem:s15], [sflag:$0x2], $0x80, s19, s14, $0xb8;
	[tilespmem:$0x1D000] =	vst v63  }
0x2a: {  	_ =	swait.ge [sflag:s12], $0x4000  }
0x2b: {  	s19 =	smov.u32 s21;
	[sflag:s12] =	ssyncset.done $0x0  }
0x2c: {  	s18 =	sshra.s32 s18, $0x2;
	[sflag:s12] =	ssyncadd.s32 $0xFFFFC000  }
0x2d: {  	[tilespmem:s15], [sflag:$0x1] =	stream.indirect.gather [hbm4b:s4+s14], $0x80, s18, s14, $0xb8;
	[tilespmem:$0x1D000] =	vst v63  }
0x2e: {  	_ =	swait.ge [sflag:s16], $0x4000  }
0x2f: {  	[sflag:s16] =	ssyncset.done $0x0  }
0x30: {  	s18 =	sadd.s32 $0x2800, s18;
	[sflag:s16] =	ssyncadd.s32 $0xFFFFC000  }
0x31: {  	[spmem:s2] =	stream.indirect.scatter.add.f32 [tilespmem:s15], [sflag:$0x2], $0x80, s18, s14, $0xb8;
	[tilespmem:$0x1D000] =	vst v63  }
0x32: {  	_ =	swait.ge [sflag:s12], $0x4000  }
0x33: {  	s17 =	sadd.s32 $0x1, s17;
	[sflag:s12] =	ssyncset.done $0x0  }
0x34: {  	p0 =	sne.s32 s17, s10;
	[sflag:s12] =	ssyncadd.s32 $0xFFFFC000  }
.Ltmp1:
0x35: {  	[bflag:$0x0] =	sbarrier.arrive $0xFFFF;
	(pc) =	sbr.rel @p0 .LBB2_1-.Ltmp1, $4  }
0x36: {  	[hbm:s9], [sflag:s6] =	dma.local [spmem:s11], $0x2800  }
0x37: {  	_ =	swait.ge [sflag:s12], $0x2800  }
0x38: {  	[sflag:s12] =	ssyncset.done $0x0  }
0x39: {  	[sflag:s12] =	ssyncadd.s32 $0xFFFFD800  }
0x3a: {  	_ =	sfence.sel $0x180000  }
0x3b: {  	[bflag:$0x0] =	sbarrier.arrive $0xFFFF  }
0x3c: {  	p0 =	sne.s32 s0, $0x0;
	_ =	strace $0x9000004D  }
0x3d: {  	s0 =	sadd.s32 @!p0 $0x100000, s1;
	[bflag:$0x2] =	sbarrier.arrive $0xFFFF  }
0x3e: {  	[sflag:s0] =	ssyncadd.tile.s32 @!p0 $0x1;
	_ =	shalt  }
.Lfunc_end2:
_tile_overlayer_lowered:
.L_overlay_start_2:
0x3f: {  	(tag) =	ssettag $0x2  }
0x40: {  	s0 =	rddreg [dreg:$0x0];
	s2 =	stileid.u32  }
0x41: {  	s1 =	rddreg [dreg:$0x1];
	p0 =	sne.s32 s2, $0x0  }
0x42: {  	s3 =	rddreg [dreg:$0x2];
	[bflag:$0x3] =	sbarrier.arrive $0xFFFF;
	s2 =	simm.s32 @!p0 $0x1C02  }
0x43: {  	[timem:s3], [sflag:s2] =	dma.local @!p0 [hbm:s0], s1  }
0x44: {  	s0 =	simm.s32 @!p0 $0x2  }
0x45: {  	_ =	swait.ge @!p0 [sflag:s0], s1  }
0x46: {  	s1 =	ssub.s32 @!p0 $0x0, s1;
	[sflag:s0] =	ssyncset.done @!p0 $0x0  }
0x47: {  	[sflag:s0] =	ssyncadd.s32 @!p0 s1  }
0x48: {  	[bflag:$0x3] =	sbarrier.arrive $0xFFFF  }
0x49: {  	_ =	shalt  }

// kernel: kernel.8.cloned.1.call-start
scs
__scs_entry_jumppad:
0x0: {  	(pc) =	sbr.rel $0x88, $3  }
0x1: {  	(tag) =	ssettag $0x0;
	lr =	simm.s32 $0x1  }
0x2: {  	[smem:$0x3F9E] =	sst lr;
	_ =	strace $0xD0000000  }
0x3: {  	_ = 	snop  }
0x4: {  	_ = 	snop  }
0x5: {  	_ = 	snop  }
0x6: {  	_ = 	snop  }
0x7: {  	_ = 	snop  }
__scs_overlays_trampoline_lowered:
0x8: {  	[smem:$0x3FAD] =	sst s0  }
0x9: {  	[smem:$0x3FAE] =	sst s1  }
0xa: {  	[smem:$0x3FAF] =	sst s2  }
0xb: {  	[smem:$0x3FB0] =	sst s3  }
0xc: {  	[smem:$0x3FB1] =	sst s4  }
0xd: {  	[smem:$0x3FB2] =	sst s5  }
0xe: {  	[smem:$0x3FB3] =	sst s6  }
0xf: {  	[smem:$0x3FB4] =	sst s7  }
0x10: {  	[smem:$0x3FB5] =	sst s8  }
0x11: {  	[smem:$0x3FB6] =	sst s9;
	s0 =	simm.s32 @!p0 $0x0  }
0x12: {  	s1 =	sld [smem:$0x3F9C];
	s0 =	simm.s32 @p0 $0x1  }
0x13: {  	[smem:$0x3FB7] =	sst s0;
	s0 =	simm.s32 @!p1 $0x0  }
0x14: {  	s2 =	sld [smem:$0x3F9B];
	s0 =	simm.s32 @p1 $0x1  }
0x15: {  	[smem:$0x3FB8] =	sst s0;
	s0 =	simm.s32 @!p2 $0x0  }
0x16: {  	s3 =	sld [smem:$0x3FDB];
	s0 =	simm.s32 @p2 $0x1  }
0x17: {  	s4 =	simm.s32 $0x1BF5;
	[smem:$0x3FBA] =	sst s0  }
0x18: {  	s0 =	sld [smem:$0x3F9D];
	_ =	swait.ge [sflag:s4], $0x0  }
0x19: {  	s7 =	sld [smem:$0x3F9E]  }
0x1a: {  	s8 =	sadd.s32 $0xFFFFE003, lr  }
0x1b: {  	s9 =	sadd.s32 $0xFFFFFEF7, lr;
	s5 =	simm.s32 $0xFFFFFFFF;
	p2 =	slt.u32 s8, $0xFFFFF086  }
0x1c: {  	p1 =	slt.u32 s9, $0xF7A;
	s5 =	simm.s32 @!p2 $0x0  }
0x1d: {  	s5 =	simm.s32 @p1 $0x1;
	p0 =	seq.s32 s7, s2  }
0x1e: {  	s7 =	smul.u32 @!p0 $0xF7A, s2;
	p2 =	seq.s32 @!p0 s5, $0x0  }
0x1f: {  	s9 =	smul.u32 $0xF7A, s1;
	s8 =	simm.s32 @!p0 $0x1BF5;
	p2 =	por !p2, p0  }
0x20: {  	[sflag:s8] =	ssyncset.s32 @!p0 $0xFFFFF086;
	s6 =	sadd.s32 @!p0 s3, s7;
	s7 =	simm.s32 @!p0 $0x108  }
0x21: {  	s3 =	sadd.s32 s3, s9;
	s6 =	sadd.s32 @!p0 $0x88, s6;
	s7 =	simm.s32 @p2 $0x1082  }
0x22: {  	[simem:s7], [sflag:s8] =	dma.local @!p0 [hbm:s6], $0xF7A  }
0x23: {  	s9 =	sor.u32 $0xD0000000, s2;
	s6 =	simm.s32 $0x108;
	_ =	swait.ge @!p0 [sflag:s8], $0x0  }
0x24: {  	s3 =	sadd.s32 $0x88, s3;
	s6 =	simm.s32 @!p1 $0x1082;
	[sflag:s4] =	ssyncset.s32 $0xFFFFF086  }
0x25: {  	[simem:s6], [sflag:s4] =	dma.local [hbm:s3], $0xF7A  }
0x26: {  	[smem:$0x3F9E] =	sst s1;
	(tag) =	ssettag s2;
	_ =	strace s9  }
0x27: {  	s1 =	sld [smem:$0x3FAE]  }
0x28: {  	s2 =	sld [smem:$0x3FAF]  }
0x29: {  	s4 =	sld [smem:$0x3FB1]  }
0x2a: {  	p0 =	seq.s32 s5, $0x0;
	s5 =	sld [smem:$0x3FB2]  }
0x2b: {  	s6 =	sld [smem:$0x3FB3]  }
0x2c: {  	s7 =	sld [smem:$0x3FB4]  }
0x2d: {  	s3 =	simm.s32 $0x108;
	s8 =	sld [smem:$0x3FB5]  }
0x2e: {  	s3 =	simm.s32 @!p0 $0x1082;
	s9 =	sld [smem:$0x3FB6]  }
0x2f: {  	lr =	sadd.s32 s0, s3;
	s0 =	sld [smem:$0x3FAD]  }
0x30: {  	s3 =	sld [smem:$0x3FB0]  }
0x31: {  	[smem:$0x3FB9] =	sst s10  }
0x32: {  	s10 =	sld [smem:$0x3FB7];
	_ =	sdelay $0x3  }
0x33: {  	p0 =	seq.s32 s10, $0x1;
	s10 =	sld [smem:$0x3FB9];
	_ =	sdelay $0x3  }
0x34: {  	[smem:$0x3FB9] =	sst s10  }
0x35: {  	s10 =	sld [smem:$0x3FB8];
	_ =	sdelay $0x3  }
0x36: {  	p1 =	seq.s32 s10, $0x1;
	s10 =	sld [smem:$0x3FB9];
	_ =	sdelay $0x3  }
0x37: {  	[smem:$0x3FB9] =	sst s10  }
0x38: {  	s10 =	sld [smem:$0x3FBA]  }
0x39: {  	_ = 	snop;
	(pc) =	sbr.ind lr, $3  }
0x3a: {  	_ = 	snop  }
0x3b: {  	_ = 	snop  }
0x3c: {  	p2 =	seq.s32 s10, $0x1;
	s10 =	sld [smem:$0x3FB9]  }
0x3d: {  	_ =	shalt  }
0x3e: {  	_ =	shalt  }
0x3f: {  	_ =	shalt  }
0x40: {  	_ =	shalt  }
0x41: {  	_ =	shalt  }
0x42: {  	_ =	shalt  }
0x43: {  	_ =	shalt  }
0x44: {  	_ =	shalt  }
0x45: {  	_ =	shalt  }
0x46: {  	_ =	shalt  }
0x47: {  	_ =	shalt  }
0x48: {  	_ =	shalt  }
0x49: {  	_ =	shalt  }
0x4a: {  	_ =	shalt  }
0x4b: {  	_ =	shalt  }
0x4c: {  	_ =	shalt  }
0x4d: {  	_ =	shalt  }
0x4e: {  	_ =	shalt  }
0x4f: {  	_ =	shalt  }
0x50: {  	_ =	shalt  }
0x51: {  	_ =	shalt  }
0x52: {  	_ =	shalt  }
0x53: {  	_ =	shalt  }
0x54: {  	_ =	shalt  }
0x55: {  	_ =	shalt  }
0x56: {  	_ =	shalt  }
0x57: {  	_ =	shalt  }
0x58: {  	_ =	shalt  }
0x59: {  	_ =	shalt  }
0x5a: {  	_ =	shalt  }
0x5b: {  	_ =	shalt  }
0x5c: {  	_ =	shalt  }
0x5d: {  	_ =	shalt  }
0x5e: {  	_ =	shalt  }
0x5f: {  	_ =	shalt  }
0x60: {  	_ =	shalt  }
0x61: {  	_ =	shalt  }
0x62: {  	_ =	shalt  }
0x63: {  	_ =	shalt  }
0x64: {  	_ =	shalt  }
0x65: {  	_ =	shalt  }
0x66: {  	_ =	shalt  }
0x67: {  	_ =	shalt  }
0x68: {  	_ =	shalt  }
0x69: {  	_ =	shalt  }
0x6a: {  	_ =	shalt  }
0x6b: {  	_ =	shalt  }
0x6c: {  	_ =	shalt  }
0x6d: {  	_ =	shalt  }
0x6e: {  	_ =	shalt  }
0x6f: {  	_ =	shalt  }
0x70: {  	_ =	shalt  }
0x71: {  	_ =	shalt  }
0x72: {  	_ =	shalt  }
0x73: {  	_ =	shalt  }
0x74: {  	_ =	shalt  }
0x75: {  	_ =	shalt  }
0x76: {  	_ =	shalt  }
0x77: {  	_ =	shalt  }
0x78: {  	_ =	shalt  }
0x79: {  	_ =	shalt  }
0x7a: {  	_ =	shalt  }
0x7b: {  	_ =	shalt  }
0x7c: {  	_ =	shalt  }
0x7d: {  	_ =	shalt  }
0x7e: {  	_ =	shalt  }
0x7f: {  	_ =	shalt  }
0x80: {  	_ =	shalt  }
0x81: {  	_ =	shalt  }
0x82: {  	_ =	shalt  }
0x83: {  	_ =	shalt  }
0x84: {  	_ =	shalt  }
0x85: {  	_ =	shalt  }
0x86: {  	_ =	shalt  }
0x87: {  	_ =	shalt  }
.Lfunc_end0:
.L_simem_size_0:
called_computation_lowered:
.L_overlay_start_0:
0x88: {  	s2 =	sld [smem:$0x3FD9]  }
0x89: {  	s3 =	sld [smem:$0x3FFE];
	_ =	sdelay $0x1  }
0x8a: {  	s1 =	srdreg.scid  }
0x8b: {  	s0 =	sand.u32 $0x1, s1  }
0x8c: {  	s17 =	sshll.u32 s0, $0xA;
	s2 =	sadd.s32 s3, s2  }
0x8d: {  	s2 =	sadd.s32 s2, s17  }
0x8e: {  	[smem:$0x3FC5] =	sst s2  }
0x8f: {  	_ = 	snop  }
0x90: {  	s2 =	sld [smem:$0x3FD0];
	(tm) =	ssettm $0x1  }
0x91: {  	s18 =	sld [smem:$0x3FFB];
	_ =	sdelay $0x3  }
0x92: {  	_ =	strace s18  }
0x93: {  	s3 =	sld [smem:$0x3FFC];
	_ =	sdelay $0x3  }
0x94: {  	_ =	strace s3  }
0x95: {  	s3 =	sld [smem:$0x3FFD];
	_ =	sdelay $0x3  }
0x96: {  	_ =	strace s3  }
0x97: {  	_ =	strace $0x8FFFFFFF  }
0x98: {  	s19 =	sld [smem:$0x3FDB];
	_ =	sdelay $0x1  }
0x99: {  	s4 =	simm.s32 $_scs_section_size  }
0x9a: {  	s5 =	simm.s32 $_size__tile_overlayer_lowered;
	s6 =	simm.s32 $_tile_overlayer_lowered  }
0x9b: {  	s22 =	simm.s32 $0x1BFF;
	s21 =	sshll.u32 s6, $0x1;
	s3 =	sadd.s32 s4, s19  }
0x9c: {  	s7 =	simm.s32 $0x0;
	s20 =	sshll.u32 s5, $0x1;
	s5 =	sadd.s32 s21, s3  }
0x9d: {  	[timem:s7], [sflag:s22] =	dma.local [hbm:s5], s20  }
0x9e: {  	_ =	swait.ge [sflag:s22], s20  }
0x9f: {  	s4 =	ssub.s32 $0x0, s20;
	[sflag:s22] =	ssyncset.done $0x0  }
0xa0: {  	[sflag:s22] =	ssyncadd.s32 s4;
	_ =	sdelay $0x1  }
0xa1: {  	s23 =	simm.s32 $0x1B8B  }
0xa2: {  	_ =	swait.ge [sflag:s23], $0x1  }
0xa3: {  	[sflag:s23] =	ssyncset.done $0x0  }
0xa4: {  	s25 =	simm.s32 $0x1B8E;
	s24 =	sld [smem:$0x3FFE];
	[sflag:s23] =	ssyncadd.s32 $0xFFFFFFFF  }
0xa5: {  	s26 =	simm.s32 $execute0_lowered;
	[smem:$0x3FD2] =	sst s25  }
0xa6: {  	s5 =	sshll.u32 s26, $0x1;
	_ =	strace $0x80000046;
	[dreg:$0x1] =	wrdreg $0xFFFFFFFF  }
0xa7: {  	s28 =	simm.s32 $_size_execute0_lowered;
	s3 =	sadd.s32 s3, s5;
	[dreg:$0x0] =	wrdreg $0x0  }
0xa8: {  	s5 =	sshll.u32 s28, $0x1;
	[dreg:$0x2] =	wrdreg s3  }
0xa9: {  	[dreg:$0x3] =	wrdreg s5  }
0xaa: {  	[dreg:$0x4] =	wrdreg $0xC0  }
0xab: {  	_ =	task [dreg:s7], $0x5FFFF  }
0xac: {  	[dreg:$0x1] =	wrdreg $0xFFFFFFFF  }
0xad: {  	[dreg:$0x0] =	wrdreg $0x60  }
0xae: {  	[dreg:$0x2] =	wrdreg s2  }
0xaf: {  	[dreg:$0x3] =	wrdreg s24  }
0xb0: {  	[dreg:$0x4] =	wrdreg $0x29000  }
0xb1: {  	[dreg:$0x5] =	wrdreg $0x9  }
0xb2: {  	_ =	task.clear_ibuf [dreg:s7], $0x6FFFF;
	_ =	strace $0x90000046  }
0xb3: {  	s29 =	simm.s32 $0x9;
	_ =	strace $0x80000048  }
0xb4: {  	_ =	swait.ge [sflag:s29], $0x1  }
0xb5: {  	[sflag:s29] =	ssyncadd.s32 $0xFFFFFFFF  }
0xb6: {  	_ =	strace $0x90000048  }
0xb7: {  	_ =	sfence  }
0xb8: {  	s30 =	sld [smem:$0x0];
	_ =	sdelay $0x2  }
0xb9: {  	s31 =	sshll.u32 s1, $0xD;
	s1 =	sshrl.u32 s1, $0x2  }
0xba: {  	s3 =	sand.u32 $0x4000, s31;
	s1 =	sadd.s32 s1, s30  }
0xbb: {  	s0 =	sor.u32 s3, s0;
	s1 =	sshll.u32 s1, $0x11  }
0xbc: {  	s0 =	sor.u32 s1, s0  }
0xbd: {  	s0 =	sadd.s32 $0x8F2B, s0  }
0xbe: {  	[sflag:s0] =	ssyncadd.remote.s32 $0x1  }
0xbf: {  	_ =	sfence.sel $0xFFFF  }
0xc0: {  	[dreg:$0x0] =	wrdreg $0xFFFFFFFF;
	(pc) =	sbr.abs _section_cstart, $3  }
0xc1: {  	[dreg:$0x1] =	wrdreg $0xFFFFFFFF  }
0xc2: {  	_ =	task.clear_ibuf [dreg:s7], $0x2FFFF;
	_ =	strace $0x9FFFFFFF  }
0xc3: {  	(tm) =	ssettm $0x7FFFFFFF  }
tec
execute0_lowered:
.L_overlay_start_1:
0x0: {  	(tag) =	ssettag $0x1  }
0x1: {  	s9 =	rddreg [dreg:$0x0]  }
0x2: {  	s4 =	rddreg [dreg:$0x1]  }
0x3: {  	s1 =	srdreg.scid;
	s0 =	stileid.u32  }
0x4: {  	s2 =	rddreg [dreg:$0x2];
	s3 =	simm.s32 $0x0;
	s13 =	simm.s32 $0x1  }
0x5: {  	s14 =	simm.s32 $0x80;
	s15 =	simm.s32 $0x2800;
	s18 =	simm.s32 $0x0  }
0x6: {  	s5 =	sand.u32 $0x1, s1;
	s6 =	smul.u32 $0x280, s0;
	s1 =	rddreg [dreg:$0x3]  }
0x7: {  	[smem:$0x7FF] =	sst s3;
	s10 =	sshll.u32 s0, $0x1;
	s7 =	smul.u32 $0x2800, s5  }
0x8: {  	s16 =	sshll.u32 s0, $0x6;
	_ =	strace $0x80000047;
	s8 =	ssub.s32 $0x2, s5  }
0x9: {  	s5 =	sor.u32 s5, s10;
	s16 =	sor.u32 $0x1C01, s16;
	s7 =	sadd.s32 s6, s7  }
0xa: {  	s31 =	sshrl.u32 s8, $0x1;
	s10 =	smul.u32 $0x500, s5;
	s7 =	sshrl.u32 s7, $0x3  }
0xb: {  	s12 =	ssub.s32 s8, s31;
	s11 =	sadd.s32 s7, s4;
	s4 =	sadd.s32 s6, s2  }
0xc: {  	s9 =	sadd.s32 s9, s10;
	s5 =	sadd.s32 $0x80, s4;
	s6 =	sadd.s32 $0x100, s4  }
0xd: {  	s7 =	sadd.s32 $0x180, s4;
	s8 =	sadd.s32 $0x200, s4;
	s10 =	sadd.s32 $0xBC00, s11  }
0xe: {  	v0 =	vimm.f32 $1.000000000e+00;
	v1 =	vimm.f32 $0.0e+00;
	s11 =	smax.u32 s12, $0x1;
	s12 =	simm.s32 $0x2880;
	s17 =	sshrl.u32 s4, $0x3  }
.LBB2_1:
0xf: {  	[tilespmem:$0x2800] =	vst v0  }
0x10: {  	[tilespmem:$0x2810] =	vst v0  }
0x11: {  	[tilespmem:$0x2820] =	vst v0  }
0x12: {  	[tilespmem:$0x2830] =	vst v0  }
0x13: {  	[tilespmem:$0x2840] =	vst v0  }
0x14: {  	[tilespmem:$0x2850] =	vst v0  }
0x15: {  	[tilespmem:$0x2860] =	vst v0  }
0x16: {  	[tilespmem:$0x2870] =	vst v0  }
0x17: {  	[tilespmem:$0x2880] =	vst v1  }
0x18: {  	[tilespmem:$0x2890] =	vst v1  }
0x19: {  	[tilespmem:$0x28A0] =	vst v1  }
0x1a: {  	[tilespmem:$0x28B0] =	vst v1  }
0x1b: {  	[tilespmem:$0x28C0] =	vst v1  }
0x1c: {  	[tilespmem:$0x28D0] =	vst v1  }
0x1d: {  	[tilespmem:$0x28E0] =	vst v1  }
0x1e: {  	[tilespmem:$0x28F0] =	vst v1  }
0x1f: {  	[spmem:s4] =	stream.linear.scatter [tilespmem:s12], [sflag:$0x1], $0x80, $0x38;
	[tilespmem:$0x2B80] =	vst v63  }
0x20: {  	_ =	swait.ge [sflag:s13], $0x80  }
0x21: {  	[sflag:s13] =	ssyncset.done $0x0  }
0x22: {  	[sflag:s13] =	ssyncadd.s32 $0xFFFFFF80  }
0x23: {  	[spmem:s5] =	stream.linear.scatter [tilespmem:s12], [sflag:$0x1], $0x80, $0x38;
	[tilespmem:$0x2B80] =	vst v63  }
0x24: {  	_ =	swait.ge [sflag:s13], $0x80  }
0x25: {  	[sflag:s13] =	ssyncset.done $0x0  }
0x26: {  	[sflag:s13] =	ssyncadd.s32 $0xFFFFFF80  }
0x27: {  	[spmem:s6] =	stream.linear.scatter [tilespmem:s12], [sflag:$0x1], $0x80, $0x38;
	[tilespmem:$0x2B80] =	vst v63  }
0x28: {  	_ =	swait.ge [sflag:s13], $0x80  }
0x29: {  	[sflag:s13] =	ssyncset.done $0x0  }
0x2a: {  	[sflag:s13] =	ssyncadd.s32 $0xFFFFFF80  }
0x2b: {  	[spmem:s7] =	stream.linear.scatter [tilespmem:s12], [sflag:$0x1], $0x80, $0x38;
	[tilespmem:$0x2B80] =	vst v63  }
0x2c: {  	_ =	swait.ge [sflag:s13], $0x80  }
0x2d: {  	[sflag:s13] =	ssyncset.done $0x0  }
0x2e: {  	[sflag:s13] =	ssyncadd.s32 $0xFFFFFF80  }
0x2f: {  	[spmem:s8] =	stream.linear.scatter [tilespmem:s12], [sflag:$0x1], $0x80, $0x38;
	[tilespmem:$0x2B80] =	vst v63  }
0x30: {  	_ =	swait.ge [sflag:s13], $0x80  }
0x31: {  	[sflag:s13] =	ssyncset.done $0x0  }
0x32: {  	[sflag:s13] =	ssyncadd.s32 $0xFFFFFF80  }
0x33: {  	[tilespmem:s3], [sflag:$0x1] =	stream.linear.gather [hbm4b:s9+s3], $0x2800, $0x38;
	[tilespmem:$0x2B80] =	vst v63  }
0x34: {  	_ =	swait.ge [sflag:s13], $0x2800  }
0x35: {  	[sflag:s13] =	ssyncset.done $0x0  }
0x36: {  	[sflag:s13] =	ssyncadd.s32 $0xFFFFD800  }
0x37: {  	s19 =	simm.s32 $0x0;
	[bflag:$0x0] =	sbarrier.arrive $0xFFFF  }
0x38: {  	[spmem:s2] =	stream.indirect.scatter.add.f32 [tilespmem:s15], [sflag:$0x1], $0x1, s19, s14, $0xb8;
	[tilespmem:$0x2B80] =	vst v63  }
0x39: {  	_ =	swait.ge [sflag:s13], $0x80  }
0x3a: {  	s19 =	simm.s32 $0x200;
	[sflag:s13] =	ssyncset.done $0x0  }
.LBB2_2:
0x3b: {  	s20 =	sshra.s32 s19, $0x2;
	[sflag:s13] =	ssyncadd.s32 $0xFFFFFF80;
	p0 =	sne.s32 s19, $0x9E00  }
0x3c: {  	[spmem:s2] =	stream.indirect.scatter.add.f32 [tilespmem:s15], [sflag:$0x1], $0x1, s20, s14, $0xb8;
	[tilespmem:$0x2B80] =	vst v63  }
.Ltmp0:
0x3d: {  	_ = 	snop;
	(pc) =	sbr.rel @p0 .LBB2_2-.Ltmp0, $4  }
0x3e: {  	_ = 	snop  }
0x3f: {  	s19 =	sadd.s32 $0x200, s19  }
0x40: {  	_ =	swait.ge [sflag:s13], $0x80  }
0x41: {  	[sflag:s13] =	ssyncset.done $0x0  }
0x42: {  	s18 =	sadd.s32 $0x1, s18  }
0x43: {  	[sflag:s13] =	ssyncadd.s32 $0xFFFFFF80;
	p0 =	sne.s32 s18, s11  }
.Ltmp1:
0x44: {  	[bflag:$0x0] =	sbarrier.arrive $0xFFFF;
	(pc) =	sbr.rel @p0 .LBB2_1-.Ltmp1, $4  }
0x45: {  	[hbm:s10], [sflag:s16] =	dma.local [spmem:s17], $0x50  }
0x46: {  	_ =	swait.ge [sflag:s13], $0x50  }
0x47: {  	[sflag:s13] =	ssyncset.done $0x0  }
0x48: {  	[sflag:s13] =	ssyncadd.s32 $0xFFFFFFB0  }
0x49: {  	_ =	sfence.sel $0x180000  }
0x4a: {  	[bflag:$0x0] =	sbarrier.arrive $0xFFFF  }
0x4b: {  	p0 =	sne.s32 s0, $0x0;
	_ =	strace $0x90000047  }
0x4c: {  	s0 =	sadd.s32 @!p0 $0x100000, s1;
	[bflag:$0x2] =	sbarrier.arrive $0xFFFF  }
0x4d: {  	[sflag:s0] =	ssyncadd.tile.s32 @!p0 $0x1;
	_ =	shalt  }
.Lfunc_end2:
_tile_overlayer_lowered:
.L_overlay_start_2:
0x4e: {  	(tag) =	ssettag $0x2  }
0x4f: {  	s0 =	rddreg [dreg:$0x0];
	s2 =	stileid.u32  }
0x50: {  	s1 =	rddreg [dreg:$0x1];
	p0 =	sne.s32 s2, $0x0  }
0x51: {  	s3 =	rddreg [dreg:$0x2];
	[bflag:$0x3] =	sbarrier.arrive $0xFFFF;
	s2 =	simm.s32 @!p0 $0x1C01  }
0x52: {  	[timem:s3], [sflag:s2] =	dma.local @!p0 [hbm:s0], s1  }
0x53: {  	s0 =	simm.s32 @!p0 $0x1  }
0x54: {  	_ =	swait.ge @!p0 [sflag:s0], s1  }
0x55: {  	s1 =	ssub.s32 @!p0 $0x0, s1;
	[sflag:s0] =	ssyncset.done @!p0 $0x0  }
0x56: {  	[sflag:s0] =	ssyncadd.s32 @!p0 s1  }
0x57: {  	[bflag:$0x3] =	sbarrier.arrive $0xFFFF  }
0x58: {  	_ =	shalt  }

</sc_bundles>
